<compile_context>
chip_gen: v7x
topology: tpu7x:2x2x1
jax: 0.10.2.dev20260603
libtpu: 0.0.44.dev20260713+nightly
codegen_flags: <defaults>
</compile_context>

<pallas_src>
import functools
import math

import jax
import jax.numpy as jnp
import numpy as np
from jax import lax
from jax.experimental import pallas as pl
from jax.experimental.pallas import tpu as pltpu
from jax.experimental.pallas import tpu_sc as plsc

VOCAB = 100000
EMBED_DIM = 2048
BATCH = 4
SEQ_LEN = 4096

NC, NS, LANES = 2, 16, 16
NW = NC * NS
PW = SEQ_LEN // NW
CHUNK = 8
NB = 4
STEPS = (PW // CHUNK) * BATCH
VECS_PER_ROW = EMBED_DIM // LANES


def _sinusoidal_pe(seq_len: int, d: int):
    pos = np.arange(seq_len, dtype=np.float32)[:, None]
    div = np.exp(np.arange(0, d, 2, dtype=np.float32) * (-math.log(10000.0) / d))
    pe = np.zeros((seq_len, d), dtype=np.float32)
    pe[:, 0::2] = np.sin(pos * div)
    pe[:, 1::2] = np.cos(pos * div)
    return pe


_PE = _sinusoidal_pe(SEQ_LEN, EMBED_DIM)


def _make_sc_kernel():
    mesh = plsc.VectorSubcoreMesh(
        core_axis_name="c", subcore_axis_name="s",
        num_cores=NC, num_subcores=NS,
    )

    @functools.partial(
        pl.kernel,
        out_type=jax.ShapeDtypeStruct((BATCH, SEQ_LEN, EMBED_DIM), jnp.float32),
        mesh=mesh,
        scratch_types=[
            pltpu.VMEM((BATCH, PW), jnp.int32),
            pltpu.VMEM((CHUNK * EMBED_DIM,), jnp.float32),
            pltpu.VMEM((NB, CHUNK, EMBED_DIM), jnp.float32),
            pltpu.SemaphoreType.DMA,
            pltpu.SemaphoreType.DMA,
            pltpu.SemaphoreType.DMA((NB,)),
            pltpu.SemaphoreType.DMA,
        ],
    )
    def body(x_hbm, pe_hbm, table_hbm, out_hbm, idx_v, pe_v, row_vv,
             isem, gsem, ssems, psem):
        wid = lax.axis_index("s") * NC + lax.axis_index("c")
        pos0 = wid * PW

        for b in range(BATCH):
            pltpu.async_copy(x_hbm.at[b, pl.ds(pos0, PW)], idx_v.at[b], isem)
        for b in range(BATCH):
            pltpu.make_async_copy(
                x_hbm.at[b, pl.ds(pos0, PW)], idx_v.at[b], isem).wait()
        pltpu.async_copy(
            pe_hbm.at[pl.ds(pos0 * EMBED_DIM, CHUNK * EMBED_DIM)], pe_v, psem)
        pltpu.async_copy(table_hbm.at[idx_v.at[0, pl.ds(0, CHUNK)]],
                         row_vv.at[0], gsem)
        pltpu.async_copy(table_hbm.at[idx_v.at[1, pl.ds(0, CHUNK)]],
                         row_vv.at[1], gsem)
        pltpu.async_copy(table_hbm.at[idx_v.at[2, pl.ds(0, CHUNK)]],
                         row_vv.at[2], gsem)

        def step(t, _):
            ci = t >> 2
            b = t & 3
            q = t & (NB - 1)
            pos = pos0 + ci * CHUNK

            @pl.when(t >= NB - 3)
            def _():
                tp = t - (NB - 3)
                pltpu.make_async_copy(
                    row_vv.at[(tp & (NB - 1))],
                    out_hbm.at[tp & 3, pl.ds(pos0 + (tp >> 2) * CHUNK, CHUNK)],
                    ssems.at[tp & (NB - 1)]).wait()

            pltpu.make_async_copy(
                table_hbm.at[idx_v.at[b, pl.ds(ci * CHUNK, CHUNK)]],
                row_vv.at[q], gsem).wait()

            @pl.when(t < STEPS - 3)
            def _():
                nt = t + 3
                pltpu.async_copy(
                    table_hbm.at[idx_v.at[nt & 3, pl.ds((nt >> 2) * CHUNK, CHUNK)]],
                    row_vv.at[nt & (NB - 1)], gsem)

            @pl.when(b == 0)
            def _():
                pltpu.make_async_copy(
                    pe_hbm.at[pl.ds(pos * EMBED_DIM, CHUNK * EMBED_DIM)],
                    pe_v, psem).wait()

            for r in range(CHUNK):
                @plsc.parallel_loop(0, VECS_PER_ROW, unroll=16)
                def _(v, r=r):
                    c = v * LANES
                    plsc.addupdate(row_vv.at[q, r, pl.ds(c, LANES)],
                                   pe_v[pl.ds(r * EMBED_DIM + c, LANES)])

            pltpu.async_copy(row_vv.at[q],
                             out_hbm.at[b, pl.ds(pos, CHUNK)], ssems.at[q])

            @pl.when((b == 3) & (t < STEPS - 1))
            def _():
                pltpu.async_copy(
                    pe_hbm.at[pl.ds((pos + CHUNK) * EMBED_DIM,
                                    CHUNK * EMBED_DIM)], pe_v, psem)

            return 0

        lax.fori_loop(0, STEPS, step, 0)

        for k in range(NB - 3, 0, -1):
            tp = STEPS - k
            pltpu.make_async_copy(
                row_vv.at[tp & (NB - 1)],
                out_hbm.at[tp & 3,
                           pl.ds(pos0 + (tp >> 2) * CHUNK, CHUNK)],
                ssems.at[tp & (NB - 1)]).wait()

    return body


_sc_kernel = _make_sc_kernel()


def kernel(x, table):
    return _sc_kernel(x.astype(jnp.int32), jnp.asarray(_PE.reshape(-1)), table)

# --- scband reference (transcript-rebuilt; emitter-appended) ---
"""Pipeline reference for scband-embedding-21552145891547 (READ-ONLY COPY).

The authoritative reference and input builder live on the scoring server;
editing this copy changes nothing except your own understanding.
"""

import jax, jax.numpy as jnp
import numpy as np
import math

VOCAB = 100000
EMBED_DIM = 2048
BATCH = 4
SEQ_LEN = 4096


def setup_inputs(seed: int = 0) -> dict:
    key = jax.random.key(seed)
    k_idx, k_tab = jax.random.split(key)
    x = jax.random.randint(k_idx, (BATCH, SEQ_LEN), 0, VOCAB, dtype=jnp.int64 if jax.config.jax_enable_x64 else jnp.int32)
    table = jax.random.normal(k_tab, (VOCAB, EMBED_DIM), dtype=jnp.float32) * 0.02
    return {"x": x, "table": table}


def _sinusoidal_pe(seq_len: int, d: int) -> jnp.ndarray:
    pos = jnp.arange(seq_len, dtype=jnp.float32)[:, None]
    div = jnp.exp(jnp.arange(0, d, 2, dtype=jnp.float32) * (-math.log(10000.0) / d))
    pe = jnp.zeros((seq_len, d), dtype=jnp.float32)
    pe = pe.at[:, 0::2].set(jnp.sin(pos * div))
    pe = pe.at[:, 1::2].set(jnp.cos(pos * div))
    return pe


def reference(x, table):
    # token embedding: gather rows from table (SparseCore gather)
    emb = jnp.take(table, x, axis=0)  # [B, L, D]
    # positional encoding: add fixed sinusoidal buffer
    pe = _sinusoidal_pe(x.shape[-1], table.shape[1])
    return emb + pe[None, :, :]

if __name__ == "__main__":
    import jax
    _d = setup_inputs()
    print(jax.jit(kernel)(*tuple(_d.values())))

</pallas_src>

<mosaic_0001>
#map = affine_map<(d0, d1) -> (0, 0)>
#map1 = affine_map<(d0, d1) -> (0)>
#map2 = affine_map<(d0, d1) -> (0, 0, 0)>
module attributes {stable_mosaic.version = 14 : i64} {
  func.func @body(%arg0: i32, %arg1: i32, %arg2: memref<4x4096xi32, #tpu.memory_space<hbm>>, %arg3: memref<8388608xf32, #tpu.memory_space<hbm>>, %arg4: memref<100000x2048xf32, #tpu.memory_space<hbm>>, %arg5: memref<4x4096x2048xf32, #tpu.memory_space<hbm>>, %arg6: memref<4x128xi32, #tpu.memory_space<vmem>>, %arg7: memref<16384xf32, #tpu.memory_space<vmem>>, %arg8: memref<4x8x2048xf32, #tpu.memory_space<vmem>>, %arg9: memref<!tpu.dma_semaphore, #tpu.memory_space<semaphore_mem>>, %arg10: memref<!tpu.dma_semaphore, #tpu.memory_space<semaphore_mem>>, %arg11: memref<4x!tpu.dma_semaphore, #tpu.memory_space<semaphore_mem>>, %arg12: memref<!tpu.dma_semaphore, #tpu.memory_space<semaphore_mem>>) attributes {dimension_semantics = [#tpu.dimension_semantics<core_parallel>, #tpu.dimension_semantics<subcore_parallel>], iteration_bounds = array<i64: 2, 16>, scalar_prefetch = 0 : i64, scratch_operands = 7 : i64, tpu.core_type = #tpu.core_type<sc_vector_subcore>, window_params = [{transform_indices = #map}, {transform_indices = #map1}, {transform_indices = #map}, {transform_indices = #map2}]} {
    %mul3A = arith.constant 2 : i32
    %mul3A_0 = arith.muli %arg1, %mul3A : i32
    %add3A = arith.addi %mul3A_0, %arg0 : i32
    %mul3A_1 = arith.constant 128 : i32
    %mul3A_2 = arith.muli %add3A, %mul3A_1 : i32
    %dma_start3A = arith.constant 0 : i32
    %dma_start3A_3 = arith.constant 0 : i32
    %dma_start3A_4 = arith.constant 0 : i32
    %dma_start3A_5 = tpu.memref_slice %arg6[%dma_start3A_3, %dma_start3A_4] : memref<4x128xi32, #tpu.memory_space<vmem>> -> memref<1x128xi32, #tpu.memory_space<vmem>>
    %dma_start3A_6 = tpu.memref_squeeze %dma_start3A_5 : memref<1x128xi32, #tpu.memory_space<vmem>> -> memref<128xi32, #tpu.memory_space<vmem>>
    %dma_start3A_7 = tpu.memref_slice %arg2[%dma_start3A, %mul3A_2] : memref<4x4096xi32, #tpu.memory_space<hbm>> -> memref<1x128xi32, #tpu.memory_space<hbm>>
    %dma_start3A_8 = tpu.memref_squeeze %dma_start3A_7 : memref<1x128xi32, #tpu.memory_space<hbm>> -> memref<128xi32, #tpu.memory_space<hbm>>
    %dma_start3A_9 = arith.constant 0 : i32
    %dma_start3A_10 = tpu.memref_slice %arg6[%dma_start3A_3, %dma_start3A_9] : memref<4x128xi32, #tpu.memory_space<vmem>> -> memref<1x128xi32, #tpu.memory_space<vmem>>
    %dma_start3A_11 = tpu.memref_squeeze %dma_start3A_10 : memref<1x128xi32, #tpu.memory_space<vmem>> -> memref<128xi32, #tpu.memory_space<vmem>>
    %dma_start3A_12 = tpu.memref_slice %arg2[%dma_start3A, %mul3A_2] : memref<4x4096xi32, #tpu.memory_space<hbm>> -> memref<1x128xi32, #tpu.memory_space<hbm>>
    %dma_start3A_13 = tpu.memref_squeeze %dma_start3A_12 : memref<1x128xi32, #tpu.memory_space<hbm>> -> memref<128xi32, #tpu.memory_space<hbm>>
    tpu.enqueue_dma source(%dma_start3A_13 : memref<128xi32, #tpu.memory_space<hbm>>) target(%dma_start3A_11 : memref<128xi32, #tpu.memory_space<vmem>>) target_semaphore(%arg9 : memref<!tpu.dma_semaphore, #tpu.memory_space<semaphore_mem>>)
    %dma_start3A_14 = arith.constant 1 : i32
    %dma_start3A_15 = arith.constant 1 : i32
    %dma_start3A_16 = arith.constant 0 : i32
    %dma_start3A_17 = tpu.memref_slice %arg6[%dma_start3A_15, %dma_start3A_16] : memref<4x128xi32, #tpu.memory_space<vmem>> -> memref<1x128xi32, #tpu.memory_space<vmem>>
    %dma_start3A_18 = tpu.memref_squeeze %dma_start3A_17 : memref<1x128xi32, #tpu.memory_space<vmem>> -> memref<128xi32, #tpu.memory_space<vmem>>
    %dma_start3A_19 = tpu.memref_slice %arg2[%dma_start3A_14, %mul3A_2] : memref<4x4096xi32, #tpu.memory_space<hbm>> -> memref<1x128xi32, #tpu.memory_space<hbm>>
    %dma_start3A_20 = tpu.memref_squeeze %dma_start3A_19 : memref<1x128xi32, #tpu.memory_space<hbm>> -> memref<128xi32, #tpu.memory_space<hbm>>
    %dma_start3A_21 = arith.constant 0 : i32
    %dma_start3A_22 = tpu.memref_slice %arg6[%dma_start3A_15, %dma_start3A_21] : memref<4x128xi32, #tpu.memory_space<vmem>> -> memref<1x128xi32, #tpu.memory_space<vmem>>
    %dma_start3A_23 = tpu.memref_squeeze %dma_start3A_22 : memref<1x128xi32, #tpu.memory_space<vmem>> -> memref<128xi32, #tpu.memory_space<vmem>>
    %dma_start3A_24 = tpu.memref_slice %arg2[%dma_start3A_14, %mul3A_2] : memref<4x4096xi32, #tpu.memory_space<hbm>> -> memref<1x128xi32, #tpu.memory_space<hbm>>
    %dma_start3A_25 = tpu.memref_squeeze %dma_start3A_24 : memref<1x128xi32, #tpu.memory_space<hbm>> -> memref<128xi32, #tpu.memory_space<hbm>>
    tpu.enqueue_dma source(%dma_start3A_25 : memref<128xi32, #tpu.memory_space<hbm>>) target(%dma_start3A_23 : memref<128xi32, #tpu.memory_space<vmem>>) target_semaphore(%arg9 : memref<!tpu.dma_semaphore, #tpu.memory_space<semaphore_mem>>)
    %dma_start3A_26 = arith.constant 2 : i32
    %dma_start3A_27 = arith.constant 2 : i32
    %dma_start3A_28 = arith.constant 0 : i32
    %dma_start3A_29 = tpu.memref_slice %arg6[%dma_start3A_27, %dma_start3A_28] : memref<4x128xi32, #tpu.memory_space<vmem>> -> memref<1x128xi32, #tpu.memory_space<vmem>>
    %dma_start3A_30 = tpu.memref_squeeze %dma_start3A_29 : memref<1x128xi32, #tpu.memory_space<vmem>> -> memref<128xi32, #tpu.memory_space<vmem>>
    %dma_start3A_31 = tpu.memref_slice %arg2[%dma_start3A_26, %mul3A_2] : memref<4x4096xi32, #tpu.memory_space<hbm>> -> memref<1x128xi32, #tpu.memory_space<hbm>>
    %dma_start3A_32 = tpu.memref_squeeze %dma_start3A_31 : memref<1x128xi32, #tpu.memory_space<hbm>> -> memref<128xi32, #tpu.memory_space<hbm>>
    %dma_start3A_33 = arith.constant 0 : i32
    %dma_start3A_34 = tpu.memref_slice %arg6[%dma_start3A_27, %dma_start3A_33] : memref<4x128xi32, #tpu.memory_space<vmem>> -> memref<1x128xi32, #tpu.memory_space<vmem>>
    %dma_start3A_35 = tpu.memref_squeeze %dma_start3A_34 : memref<1x128xi32, #tpu.memory_space<vmem>> -> memref<128xi32, #tpu.memory_space<vmem>>
    %dma_start3A_36 = tpu.memref_slice %arg2[%dma_start3A_26, %mul3A_2] : memref<4x4096xi32, #tpu.memory_space<hbm>> -> memref<1x128xi32, #tpu.memory_space<hbm>>
    %dma_start3A_37 = tpu.memref_squeeze %dma_start3A_36 : memref<1x128xi32, #tpu.memory_space<hbm>> -> memref<128xi32, #tpu.memory_space<hbm>>
    tpu.enqueue_dma source(%dma_start3A_37 : memref<128xi32, #tpu.memory_space<hbm>>) target(%dma_start3A_35 : memref<128xi32, #tpu.memory_space<vmem>>) target_semaphore(%arg9 : memref<!tpu.dma_semaphore, #tpu.memory_space<semaphore_mem>>)
    %dma_start3A_38 = arith.constant 3 : i32
    %dma_start3A_39 = arith.constant 3 : i32
    %dma_start3A_40 = arith.constant 0 : i32
    %dma_start3A_41 = tpu.memref_slice %arg6[%dma_start3A_39, %dma_start3A_40] : memref<4x128xi32, #tpu.memory_space<vmem>> -> memref<1x128xi32, #tpu.memory_space<vmem>>
    %dma_start3A_42 = tpu.memref_squeeze %dma_start3A_41 : memref<1x128xi32, #tpu.memory_space<vmem>> -> memref<128xi32, #tpu.memory_space<vmem>>
    %dma_start3A_43 = tpu.memref_slice %arg2[%dma_start3A_38, %mul3A_2] : memref<4x4096xi32, #tpu.memory_space<hbm>> -> memref<1x128xi32, #tpu.memory_space<hbm>>
    %dma_start3A_44 = tpu.memref_squeeze %dma_start3A_43 : memref<1x128xi32, #tpu.memory_space<hbm>> -> memref<128xi32, #tpu.memory_space<hbm>>
    %dma_start3A_45 = arith.constant 0 : i32
    %dma_start3A_46 = tpu.memref_slice %arg6[%dma_start3A_39, %dma_start3A_45] : memref<4x128xi32, #tpu.memory_space<vmem>> -> memref<1x128xi32, #tpu.memory_space<vmem>>
    %dma_start3A_47 = tpu.memref_squeeze %dma_start3A_46 : memref<1x128xi32, #tpu.memory_space<vmem>> -> memref<128xi32, #tpu.memory_space<vmem>>
    %dma_start3A_48 = tpu.memref_slice %arg2[%dma_start3A_38, %mul3A_2] : memref<4x4096xi32, #tpu.memory_space<hbm>> -> memref<1x128xi32, #tpu.memory_space<hbm>>
    %dma_start3A_49 = tpu.memref_squeeze %dma_start3A_48 : memref<1x128xi32, #tpu.memory_space<hbm>> -> memref<128xi32, #tpu.memory_space<hbm>>
    tpu.enqueue_dma source(%dma_start3A_49 : memref<128xi32, #tpu.memory_space<hbm>>) target(%dma_start3A_47 : memref<128xi32, #tpu.memory_space<vmem>>) target_semaphore(%arg9 : memref<!tpu.dma_semaphore, #tpu.memory_space<semaphore_mem>>)
    %dma_wait3A = arith.constant 0 : i32
    %dma_wait3A_50 = arith.constant 0 : i32
    %dma_wait3A_51 = arith.constant 0 : i32
    %dma_wait3A_52 = tpu.memref_slice %arg6[%dma_wait3A_50, %dma_wait3A_51] : memref<4x128xi32, #tpu.memory_space<vmem>> -> memref<1x128xi32, #tpu.memory_space<vmem>>
    %dma_wait3A_53 = tpu.memref_squeeze %dma_wait3A_52 : memref<1x128xi32, #tpu.memory_space<vmem>> -> memref<128xi32, #tpu.memory_space<vmem>>
    %dma_wait3A_54 = tpu.memref_slice %arg2[%dma_wait3A, %mul3A_2] : memref<4x4096xi32, #tpu.memory_space<hbm>> -> memref<1x128xi32, #tpu.memory_space<hbm>>
    %dma_wait3A_55 = tpu.memref_squeeze %dma_wait3A_54 : memref<1x128xi32, #tpu.memory_space<hbm>> -> memref<128xi32, #tpu.memory_space<hbm>>
    %dma_wait3A_56 = arith.constant 0 : i32
    %dma_wait3A_57 = tpu.memref_slice %arg6[%dma_wait3A_50, %dma_wait3A_56] : memref<4x128xi32, #tpu.memory_space<vmem>> -> memref<1x128xi32, #tpu.memory_space<vmem>>
    %dma_wait3A_58 = tpu.memref_squeeze %dma_wait3A_57 : memref<1x128xi32, #tpu.memory_space<vmem>> -> memref<128xi32, #tpu.memory_space<vmem>>
    %dma_wait3A_59 = tpu.memref_slice %arg2[%dma_wait3A, %mul3A_2] : memref<4x4096xi32, #tpu.memory_space<hbm>> -> memref<1x128xi32, #tpu.memory_space<hbm>>
    %dma_wait3A_60 = tpu.memref_squeeze %dma_wait3A_59 : memref<1x128xi32, #tpu.memory_space<hbm>> -> memref<128xi32, #tpu.memory_space<hbm>>
    tpu.wait_dma2 semaphore(%arg9 : memref<!tpu.dma_semaphore, #tpu.memory_space<semaphore_mem>>) src(%dma_wait3A_60 : memref<128xi32, #tpu.memory_space<hbm>>) dst(%dma_wait3A_58 : memref<128xi32, #tpu.memory_space<vmem>>)
    %dma_wait3A_61 = arith.constant 1 : i32
    %dma_wait3A_62 = arith.constant 1 : i32
    %dma_wait3A_63 = arith.constant 0 : i32
    %dma_wait3A_64 = tpu.memref_slice %arg6[%dma_wait3A_62, %dma_wait3A_63] : memref<4x128xi32, #tpu.memory_space<vmem>> -> memref<1x128xi32, #tpu.memory_space<vmem>>
    %dma_wait3A_65 = tpu.memref_squeeze %dma_wait3A_64 : memref<1x128xi32, #tpu.memory_space<vmem>> -> memref<128xi32, #tpu.memory_space<vmem>>
    %dma_wait3A_66 = tpu.memref_slice %arg2[%dma_wait3A_61, %mul3A_2] : memref<4x4096xi32, #tpu.memory_space<hbm>> -> memref<1x128xi32, #tpu.memory_space<hbm>>
    %dma_wait3A_67 = tpu.memref_squeeze %dma_wait3A_66 : memref<1x128xi32, #tpu.memory_space<hbm>> -> memref<128xi32, #tpu.memory_space<hbm>>
    %dma_wait3A_68 = arith.constant 0 : i32
    %dma_wait3A_69 = tpu.memref_slice %arg6[%dma_wait3A_62, %dma_wait3A_68] : memref<4x128xi32, #tpu.memory_space<vmem>> -> memref<1x128xi32, #tpu.memory_space<vmem>>
    %dma_wait3A_70 = tpu.memref_squeeze %dma_wait3A_69 : memref<1x128xi32, #tpu.memory_space<vmem>> -> memref<128xi32, #tpu.memory_space<vmem>>
    %dma_wait3A_71 = tpu.memref_slice %arg2[%dma_wait3A_61, %mul3A_2] : memref<4x4096xi32, #tpu.memory_space<hbm>> -> memref<1x128xi32, #tpu.memory_space<hbm>>
    %dma_wait3A_72 = tpu.memref_squeeze %dma_wait3A_71 : memref<1x128xi32, #tpu.memory_space<hbm>> -> memref<128xi32, #tpu.memory_space<hbm>>
    tpu.wait_dma2 semaphore(%arg9 : memref<!tpu.dma_semaphore, #tpu.memory_space<semaphore_mem>>) src(%dma_wait3A_72 : memref<128xi32, #tpu.memory_space<hbm>>) dst(%dma_wait3A_70 : memref<128xi32, #tpu.memory_space<vmem>>)
    %dma_wait3A_73 = arith.constant 2 : i32
    %dma_wait3A_74 = arith.constant 2 : i32
    %dma_wait3A_75 = arith.constant 0 : i32
    %dma_wait3A_76 = tpu.memref_slice %arg6[%dma_wait3A_74, %dma_wait3A_75] : memref<4x128xi32, #tpu.memory_space<vmem>> -> memref<1x128xi32, #tpu.memory_space<vmem>>
    %dma_wait3A_77 = tpu.memref_squeeze %dma_wait3A_76 : memref<1x128xi32, #tpu.memory_space<vmem>> -> memref<128xi32, #tpu.memory_space<vmem>>
    %dma_wait3A_78 = tpu.memref_slice %arg2[%dma_wait3A_73, %mul3A_2] : memref<4x4096xi32, #tpu.memory_space<hbm>> -> memref<1x128xi32, #tpu.memory_space<hbm>>
    %dma_wait3A_79 = tpu.memref_squeeze %dma_wait3A_78 : memref<1x128xi32, #tpu.memory_space<hbm>> -> memref<128xi32, #tpu.memory_space<hbm>>
    %dma_wait3A_80 = arith.constant 0 : i32
    %dma_wait3A_81 = tpu.memref_slice %arg6[%dma_wait3A_74, %dma_wait3A_80] : memref<4x128xi32, #tpu.memory_space<vmem>> -> memref<1x128xi32, #tpu.memory_space<vmem>>
    %dma_wait3A_82 = tpu.memref_squeeze %dma_wait3A_81 : memref<1x128xi32, #tpu.memory_space<vmem>> -> memref<128xi32, #tpu.memory_space<vmem>>
    %dma_wait3A_83 = tpu.memref_slice %arg2[%dma_wait3A_73, %mul3A_2] : memref<4x4096xi32, #tpu.memory_space<hbm>> -> memref<1x128xi32, #tpu.memory_space<hbm>>
    %dma_wait3A_84 = tpu.memref_squeeze %dma_wait3A_83 : memref<1x128xi32, #tpu.memory_space<hbm>> -> memref<128xi32, #tpu.memory_space<hbm>>
    tpu.wait_dma2 semaphore(%arg9 : memref<!tpu.dma_semaphore, #tpu.memory_space<semaphore_mem>>) src(%dma_wait3A_84 : memref<128xi32, #tpu.memory_space<hbm>>) dst(%dma_wait3A_82 : memref<128xi32, #tpu.memory_space<vmem>>)
    %dma_wait3A_85 = arith.constant 3 : i32
    %dma_wait3A_86 = arith.constant 3 : i32
    %dma_wait3A_87 = arith.constant 0 : i32
    %dma_wait3A_88 = tpu.memref_slice %arg6[%dma_wait3A_86, %dma_wait3A_87] : memref<4x128xi32, #tpu.memory_space<vmem>> -> memref<1x128xi32, #tpu.memory_space<vmem>>
    %dma_wait3A_89 = tpu.memref_squeeze %dma_wait3A_88 : memref<1x128xi32, #tpu.memory_space<vmem>> -> memref<128xi32, #tpu.memory_space<vmem>>
    %dma_wait3A_90 = tpu.memref_slice %arg2[%dma_wait3A_85, %mul3A_2] : memref<4x4096xi32, #tpu.memory_space<hbm>> -> memref<1x128xi32, #tpu.memory_space<hbm>>
    %dma_wait3A_91 = tpu.memref_squeeze %dma_wait3A_90 : memref<1x128xi32, #tpu.memory_space<hbm>> -> memref<128xi32, #tpu.memory_space<hbm>>
    %dma_wait3A_92 = arith.constant 0 : i32
    %dma_wait3A_93 = tpu.memref_slice %arg6[%dma_wait3A_86, %dma_wait3A_92] : memref<4x128xi32, #tpu.memory_space<vmem>> -> memref<1x128xi32, #tpu.memory_space<vmem>>
    %dma_wait3A_94 = tpu.memref_squeeze %dma_wait3A_93 : memref<1x128xi32, #tpu.memory_space<vmem>> -> memref<128xi32, #tpu.memory_space<vmem>>
    %dma_wait3A_95 = tpu.memref_slice %arg2[%dma_wait3A_85, %mul3A_2] : memref<4x4096xi32, #tpu.memory_space<hbm>> -> memref<1x128xi32, #tpu.memory_space<hbm>>
    %dma_wait3A_96 = tpu.memref_squeeze %dma_wait3A_95 : memref<1x128xi32, #tpu.memory_space<hbm>> -> memref<128xi32, #tpu.memory_space<hbm>>
    tpu.wait_dma2 semaphore(%arg9 : memref<!tpu.dma_semaphore, #tpu.memory_space<semaphore_mem>>) src(%dma_wait3A_96 : memref<128xi32, #tpu.memory_space<hbm>>) dst(%dma_wait3A_94 : memref<128xi32, #tpu.memory_space<vmem>>)
    %mul3A_97 = arith.constant 2048 : i32
    %mul3A_98 = arith.muli %mul3A_2, %mul3A_97 : i32
    %dma_start3A_99 = tpu.memref_slice %arg3[%mul3A_98] : memref<8388608xf32, #tpu.memory_space<hbm>> -> memref<16384xf32, #tpu.memory_space<hbm>>
    %dma_start3A_100 = tpu.memref_slice %arg3[%mul3A_98] : memref<8388608xf32, #tpu.memory_space<hbm>> -> memref<16384xf32, #tpu.memory_space<hbm>>
    tpu.enqueue_dma source(%dma_start3A_100 : memref<16384xf32, #tpu.memory_space<hbm>>) target(%arg7 : memref<16384xf32, #tpu.memory_space<vmem>>) target_semaphore(%arg12 : memref<!tpu.dma_semaphore, #tpu.memory_space<semaphore_mem>>)
    %dma_start3A_101 = arith.constant 0 : i32
    %dma_start3A_102 = arith.constant 0 : i32
    %dma_start3A_103 = arith.constant 0 : i32
    %dma_start3A_104 = arith.constant 0 : i32
    %dma_start3A_105 = tpu.memref_slice %arg8[%dma_start3A_102, %dma_start3A_103, %dma_start3A_104] : memref<4x8x2048xf32, #tpu.memory_space<vmem>> -> memref<1x8x2048xf32, #tpu.memory_space<vmem>>
    %dma_start3A_106 = tpu.memref_squeeze %dma_start3A_105 : memref<1x8x2048xf32, #tpu.memory_space<vmem>> -> memref<8x2048xf32, #tpu.memory_space<vmem>>
    %dma_start3A_107 = arith.constant 0 : i32
    %dma_start3A_108 = tpu.memref_slice %arg6[%dma_start3A_101, %dma_start3A_107] : memref<4x128xi32, #tpu.memory_space<vmem>> -> memref<1x8xi32, #tpu.memory_space<vmem>>
    %dma_start3A_109 = tpu.memref_squeeze %dma_start3A_108 : memref<1x8xi32, #tpu.memory_space<vmem>> -> memref<8xi32, #tpu.memory_space<vmem>>
    %dma_start3A_110 = arith.constant 0 : i32
    %dma_start3A_111 = arith.constant 0 : i32
    %dma_start3A_112 = tpu.memref_slice %arg4[%dma_start3A_110, %dma_start3A_111] : memref<100000x2048xf32, #tpu.memory_space<hbm>> -> memref<100000x2048xf32, #tpu.memory_space<hbm>>
    tpu.enqueue_indirect_dma source(%dma_start3A_112 : memref<100000x2048xf32, #tpu.memory_space<hbm>>) target(%dma_start3A_106 : memref<8x2048xf32, #tpu.memory_space<vmem>>) offsets(%dma_start3A_109 : memref<8xi32, #tpu.memory_space<vmem>>) semaphore(%arg10 : memref<!tpu.dma_semaphore, #tpu.memory_space<semaphore_mem>>)
    %dma_start3A_113 = arith.constant 1 : i32
    %dma_start3A_114 = arith.constant 1 : i32
    %dma_start3A_115 = arith.constant 0 : i32
    %dma_start3A_116 = arith.constant 0 : i32
    %dma_start3A_117 = tpu.memref_slice %arg8[%dma_start3A_114, %dma_start3A_115, %dma_start3A_116] : memref<4x8x2048xf32, #tpu.memory_space<vmem>> -> memref<1x8x2048xf32, #tpu.memory_space<vmem>>
    %dma_start3A_118 = tpu.memref_squeeze %dma_start3A_117 : memref<1x8x2048xf32, #tpu.memory_space<vmem>> -> memref<8x2048xf32, #tpu.memory_space<vmem>>
    %dma_start3A_119 = arith.constant 0 : i32
    %dma_start3A_120 = tpu.memref_slice %arg6[%dma_start3A_113, %dma_start3A_119] : memref<4x128xi32, #tpu.memory_space<vmem>> -> memref<1x8xi32, #tpu.memory_space<vmem>>
    %dma_start3A_121 = tpu.memref_squeeze %dma_start3A_120 : memref<1x8xi32, #tpu.memory_space<vmem>> -> memref<8xi32, #tpu.memory_space<vmem>>
    %dma_start3A_122 = arith.constant 0 : i32
    %dma_start3A_123 = arith.constant 0 : i32
    %dma_start3A_124 = tpu.memref_slice %arg4[%dma_start3A_122, %dma_start3A_123] : memref<100000x2048xf32, #tpu.memory_space<hbm>> -> memref<100000x2048xf32, #tpu.memory_space<hbm>>
    tpu.enqueue_indirect_dma source(%dma_start3A_124 : memref<100000x2048xf32, #tpu.memory_space<hbm>>) target(%dma_start3A_118 : memref<8x2048xf32, #tpu.memory_space<vmem>>) offsets(%dma_start3A_121 : memref<8xi32, #tpu.memory_space<vmem>>) semaphore(%arg10 : memref<!tpu.dma_semaphore, #tpu.memory_space<semaphore_mem>>)
    %dma_start3A_125 = arith.constant 2 : i32
    %dma_start3A_126 = arith.constant 2 : i32
    %dma_start3A_127 = arith.constant 0 : i32
    %dma_start3A_128 = arith.constant 0 : i32
    %dma_start3A_129 = tpu.memref_slice %arg8[%dma_start3A_126, %dma_start3A_127, %dma_start3A_128] : memref<4x8x2048xf32, #tpu.memory_space<vmem>> -> memref<1x8x2048xf32, #tpu.memory_space<vmem>>
    %dma_start3A_130 = tpu.memref_squeeze %dma_start3A_129 : memref<1x8x2048xf32, #tpu.memory_space<vmem>> -> memref<8x2048xf32, #tpu.memory_space<vmem>>
    %dma_start3A_131 = arith.constant 0 : i32
    %dma_start3A_132 = tpu.memref_slice %arg6[%dma_start3A_125, %dma_start3A_131] : memref<4x128xi32, #tpu.memory_space<vmem>> -> memref<1x8xi32, #tpu.memory_space<vmem>>
    %dma_start3A_133 = tpu.memref_squeeze %dma_start3A_132 : memref<1x8xi32, #tpu.memory_space<vmem>> -> memref<8xi32, #tpu.memory_space<vmem>>
    %dma_start3A_134 = arith.constant 0 : i32
    %dma_start3A_135 = arith.constant 0 : i32
    %dma_start3A_136 = tpu.memref_slice %arg4[%dma_start3A_134, %dma_start3A_135] : memref<100000x2048xf32, #tpu.memory_space<hbm>> -> memref<100000x2048xf32, #tpu.memory_space<hbm>>
    tpu.enqueue_indirect_dma source(%dma_start3A_136 : memref<100000x2048xf32, #tpu.memory_space<hbm>>) target(%dma_start3A_130 : memref<8x2048xf32, #tpu.memory_space<vmem>>) offsets(%dma_start3A_133 : memref<8xi32, #tpu.memory_space<vmem>>) semaphore(%arg10 : memref<!tpu.dma_semaphore, #tpu.memory_space<semaphore_mem>>)
    %scan3A = arith.constant 0 : i32
    %scan3A_137 = arith.constant 0 : i32
    %scan3A_138 = arith.constant 64 : i32
    %scan3A_139 = arith.addi %scan3A_137, %scan3A_138 : i32
    %scan3A_140 = arith.constant 1 : i32
    %scan3A_141 = scf.for %scan3A_164 = %scan3A_137 to %scan3A_139 step %scan3A_140 iter_args(%scan3A_165 = %scan3A) -> (i32)  : i32 {
      %shift_right_arithmetic3A = arith.constant 2 : i32
      %shift_right_arithmetic3A_166 = arith.shrsi %scan3A_164, %shift_right_arithmetic3A : i32
      %and3A = arith.constant 3 : i32
      %and3A_167 = arith.andi %scan3A_164, %and3A : i32
      %and3A_168 = arith.constant 3 : i32
      %and3A_169 = arith.andi %scan3A_164, %and3A_168 : i32
      %mul3A_170 = arith.constant 8 : i32
      %mul3A_171 = arith.muli %shift_right_arithmetic3A_166, %mul3A_170 : i32
      %add3A_172 = arith.addi %mul3A_2, %mul3A_171 : i32
      %ge3A = arith.constant 1 : i32
      %ge3A_173 = arith.cmpi sge, %scan3A_164, %ge3A : i32
      %convert_element_type3A = arith.extui %ge3A_173 : i1 to i32
      %cond3A = arith.constant 0 : i32
      %cond3A_174 = arith.cmpi ne, %convert_element_type3A, %cond3A : i32
      scf.if %cond3A_174 {
        %sub3A = arith.constant 1 : i32
        %sub3A_242 = arith.subi %scan3A_164, %sub3A : i32
        %and3A_243 = arith.constant 3 : i32
        %and3A_244 = arith.andi %sub3A_242, %and3A_243 : i32
        %and3A_245 = arith.constant 3 : i32
        %and3A_246 = arith.andi %sub3A_242, %and3A_245 : i32
        %shift_right_arithmetic3A_247 = arith.constant 2 : i32
        %shift_right_arithmetic3A_248 = arith.shrsi %sub3A_242, %shift_right_arithmetic3A_247 : i32
        %mul3A_249 = arith.constant 8 : i32
        %mul3A_250 = arith.muli %shift_right_arithmetic3A_248, %mul3A_249 : i32
        %add3A_251 = arith.addi %mul3A_2, %mul3A_250 : i32
        %and3A_252 = arith.constant 3 : i32
        %and3A_253 = arith.andi %sub3A_242, %and3A_252 : i32
        %dma_wait3A_254 = arith.constant 0 : i32
        %dma_wait3A_255 = arith.constant 0 : i32
        %dma_wait3A_256 = tpu.memref_slice %arg8[%and3A_244, %dma_wait3A_254, %dma_wait3A_255] : memref<4x8x2048xf32, #tpu.memory_space<vmem>> -> memref<1x8x2048xf32, #tpu.memory_space<vmem>>
        %dma_wait3A_257 = tpu.memref_squeeze %dma_wait3A_256 : memref<1x8x2048xf32, #tpu.memory_space<vmem>> -> memref<8x2048xf32, #tpu.memory_space<vmem>>
        %dma_wait3A_258 = arith.constant 0 : i32
        %dma_wait3A_259 = tpu.memref_slice %arg5[%and3A_246, %add3A_251, %dma_wait3A_258] : memref<4x4096x2048xf32, #tpu.memory_space<hbm>> -> memref<1x8x2048xf32, #tpu.memory_space<hbm>>
        %dma_wait3A_260 = tpu.memref_squeeze %dma_wait3A_259 : memref<1x8x2048xf32, #tpu.memory_space<hbm>> -> memref<8x2048xf32, #tpu.memory_space<hbm>>
        %dma_wait3A_261 = tpu.memref_slice %arg11[%and3A_253] : memref<4x!tpu.dma_semaphore, #tpu.memory_space<semaphore_mem>> -> memref<1x!tpu.dma_semaphore, #tpu.memory_space<semaphore_mem>>
        %dma_wait3A_262 = tpu.memref_squeeze %dma_wait3A_261 : memref<1x!tpu.dma_semaphore, #tpu.memory_space<semaphore_mem>> -> memref<!tpu.dma_semaphore, #tpu.memory_space<semaphore_mem>>
        %dma_wait3A_263 = arith.constant 0 : i32
        %dma_wait3A_264 = tpu.memref_slice %arg5[%and3A_246, %add3A_251, %dma_wait3A_263] : memref<4x4096x2048xf32, #tpu.memory_space<hbm>> -> memref<1x8x2048xf32, #tpu.memory_space<hbm>>
        %dma_wait3A_265 = tpu.memref_squeeze %dma_wait3A_264 : memref<1x8x2048xf32, #tpu.memory_space<hbm>> -> memref<8x2048xf32, #tpu.memory_space<hbm>>
        %dma_wait3A_266 = arith.constant 0 : i32
        %dma_wait3A_267 = arith.constant 0 : i32
        %dma_wait3A_268 = tpu.memref_slice %arg8[%and3A_244, %dma_wait3A_266, %dma_wait3A_267] : memref<4x8x2048xf32, #tpu.memory_space<vmem>> -> memref<1x8x2048xf32, #tpu.memory_space<vmem>>
        %dma_wait3A_269 = tpu.memref_squeeze %dma_wait3A_268 : memref<1x8x2048xf32, #tpu.memory_space<vmem>> -> memref<8x2048xf32, #tpu.memory_space<vmem>>
        tpu.wait_dma2 semaphore(%dma_wait3A_262 : memref<!tpu.dma_semaphore, #tpu.memory_space<semaphore_mem>>) src(%dma_wait3A_269 : memref<8x2048xf32, #tpu.memory_space<vmem>>) dst(%dma_wait3A_265 : memref<8x2048xf32, #tpu.memory_space<hbm>>)
      } else {
      }
      %mul3A_175 = arith.constant 8 : i32
      %mul3A_176 = arith.muli %shift_right_arithmetic3A_166, %mul3A_175 : i32
      %dma_wait3A_177 = arith.constant 0 : i32
      %dma_wait3A_178 = arith.constant 0 : i32
      %dma_wait3A_179 = tpu.memref_slice %arg8[%and3A_169, %dma_wait3A_177, %dma_wait3A_178] : memref<4x8x2048xf32, #tpu.memory_space<vmem>> -> memref<1x8x2048xf32, #tpu.memory_space<vmem>>
      %dma_wait3A_180 = tpu.memref_squeeze %dma_wait3A_179 : memref<1x8x2048xf32, #tpu.memory_space<vmem>> -> memref<8x2048xf32, #tpu.memory_space<vmem>>
      %dma_wait3A_181 = tpu.memref_slice %arg6[%and3A_167, %mul3A_176] : memref<4x128xi32, #tpu.memory_space<vmem>> -> memref<1x8xi32, #tpu.memory_space<vmem>>
      %dma_wait3A_182 = tpu.memref_squeeze %dma_wait3A_181 : memref<1x8xi32, #tpu.memory_space<vmem>> -> memref<8xi32, #tpu.memory_space<vmem>>
      %dma_wait3A_183 = arith.constant 0 : i32
      %dma_wait3A_184 = arith.constant 0 : i32
      %dma_wait3A_185 = tpu.memref_slice %arg4[%dma_wait3A_183, %dma_wait3A_184] : memref<100000x2048xf32, #tpu.memory_space<hbm>> -> memref<100000x2048xf32, #tpu.memory_space<hbm>>
      tpu.wait_indirect_dma semaphore(%arg10 : memref<!tpu.dma_semaphore, #tpu.memory_space<semaphore_mem>>) src(%dma_wait3A_185 : memref<100000x2048xf32, #tpu.memory_space<hbm>>) dst(%dma_wait3A_180 : memref<8x2048xf32, #tpu.memory_space<vmem>>)
      %lt3A = arith.constant 61 : i32
      %lt3A_186 = arith.cmpi slt, %scan3A_164, %lt3A : i32
      %convert_element_type3A_187 = arith.extui %lt3A_186 : i1 to i32
      %cond3A_188 = arith.constant 0 : i32
      %cond3A_189 = arith.cmpi ne, %convert_element_type3A_187, %cond3A_188 : i32
      scf.if %cond3A_189 {
        %add3A_242 = arith.constant 3 : i32
        %add3A_243 = arith.addi %scan3A_164, %add3A_242 : i32
        %and3A_244 = arith.constant 3 : i32
        %and3A_245 = arith.andi %add3A_243, %and3A_244 : i32
        %shift_right_arithmetic3A_246 = arith.constant 2 : i32
        %shift_right_arithmetic3A_247 = arith.shrsi %add3A_243, %shift_right_arithmetic3A_246 : i32
        %mul3A_248 = arith.constant 8 : i32
        %mul3A_249 = arith.muli %shift_right_arithmetic3A_247, %mul3A_248 : i32
        %and3A_250 = arith.constant 3 : i32
        %and3A_251 = arith.andi %add3A_243, %and3A_250 : i32
        %dma_start3A_252 = arith.constant 0 : i32
        %dma_start3A_253 = arith.constant 0 : i32
        %dma_start3A_254 = tpu.memref_slice %arg8[%and3A_251, %dma_start3A_252, %dma_start3A_253] : memref<4x8x2048xf32, #tpu.memory_space<vmem>> -> memref<1x8x2048xf32, #tpu.memory_space<vmem>>
        %dma_start3A_255 = tpu.memref_squeeze %dma_start3A_254 : memref<1x8x2048xf32, #tpu.memory_space<vmem>> -> memref<8x2048xf32, #tpu.memory_space<vmem>>
        %dma_start3A_256 = tpu.memref_slice %arg6[%and3A_245, %mul3A_249] : memref<4x128xi32, #tpu.memory_space<vmem>> -> memref<1x8xi32, #tpu.memory_space<vmem>>
        %dma_start3A_257 = tpu.memref_squeeze %dma_start3A_256 : memref<1x8xi32, #tpu.memory_space<vmem>> -> memref<8xi32, #tpu.memory_space<vmem>>
        %dma_start3A_258 = arith.constant 0 : i32
        %dma_start3A_259 = arith.constant 0 : i32
        %dma_start3A_260 = tpu.memref_slice %arg4[%dma_start3A_258, %dma_start3A_259] : memref<100000x2048xf32, #tpu.memory_space<hbm>> -> memref<100000x2048xf32, #tpu.memory_space<hbm>>
        tpu.enqueue_indirect_dma source(%dma_start3A_260 : memref<100000x2048xf32, #tpu.memory_space<hbm>>) target(%dma_start3A_255 : memref<8x2048xf32, #tpu.memory_space<vmem>>) offsets(%dma_start3A_257 : memref<8xi32, #tpu.memory_space<vmem>>) semaphore(%arg10 : memref<!tpu.dma_semaphore, #tpu.memory_space<semaphore_mem>>)
      } else {
      }
      %eq3A = arith.constant 0 : i32
      %eq3A_190 = arith.cmpi eq, %and3A_167, %eq3A : i32
      %convert_element_type3A_191 = arith.extui %eq3A_190 : i1 to i32
      %cond3A_192 = arith.constant 0 : i32
      %cond3A_193 = arith.cmpi ne, %convert_element_type3A_191, %cond3A_192 : i32
      scf.if %cond3A_193 {
        %mul3A_242 = arith.constant 2048 : i32
        %mul3A_243 = arith.muli %add3A_172, %mul3A_242 : i32
        %dma_wait3A_244 = tpu.memref_slice %arg3[%mul3A_243] : memref<8388608xf32, #tpu.memory_space<hbm>> -> memref<16384xf32, #tpu.memory_space<hbm>>
        %dma_wait3A_245 = tpu.memref_slice %arg3[%mul3A_243] : memref<8388608xf32, #tpu.memory_space<hbm>> -> memref<16384xf32, #tpu.memory_space<hbm>>
        tpu.wait_dma2 semaphore(%arg12 : memref<!tpu.dma_semaphore, #tpu.memory_space<semaphore_mem>>) src(%dma_wait3A_245 : memref<16384xf32, #tpu.memory_space<hbm>>) dst(%arg7 : memref<16384xf32, #tpu.memory_space<vmem>>)
      } else {
      }
      %parallel_loop3A = arith.constant 0 : i32
      %parallel_loop3A_194 = arith.constant 128 : i32
      %parallel_loop3A_195 = arith.constant 1 : i32
      scf.for %parallel_loop3A_242 = %parallel_loop3A to %parallel_loop3A_194 step %parallel_loop3A_195  : i32 {
        %parallel_loop3A_243 = arith.constant 16 : i32
        %parallel_loop3A_244 = arith.muli %parallel_loop3A_242, %parallel_loop3A_243 : i32
        %parallel_loop3A_245 = arith.constant 0 : i32
        %parallel_loop3A_246 = arith.addi %parallel_loop3A_245, %parallel_loop3A_244 : i32
        %parallel_loop3A_247 = arith.index_cast %parallel_loop3A_246 : i32 to index
        %parallel_loop3A_248 = tpu.vector_load %arg7[%parallel_loop3A_247] {strides = array<i32>} : memref<16384xf32, #tpu.memory_space<vmem>>, vector<16xf32>,
        %parallel_loop3A_249 = vector.shape_cast %parallel_loop3A_248 : vector<16xf32> to vector<16xf32>
        %parallel_loop3A_250 = arith.constant 0 : i32
        %parallel_loop3A_251 = arith.index_cast %and3A_169 : i32 to index
        %parallel_loop3A_252 = arith.index_cast %parallel_loop3A_250 : i32 to index
        %parallel_loop3A_253 = arith.index_cast %parallel_loop3A_244 : i32 to index
        %parallel_loop3A_254 = tpu.vector_load %arg8[%parallel_loop3A_251, %parallel_loop3A_252, %parallel_loop3A_253] {strides = array<i32>} : memref<4x8x2048xf32, #tpu.memory_space<vmem>>, vector<1x1x16xf32>,
        %parallel_loop3A_255 = vector.shape_cast %parallel_loop3A_254 : vector<1x1x16xf32> to vector<16xf32>
        %parallel_loop3A_256 = vector.shape_cast %parallel_loop3A_249 : vector<16xf32> to vector<1x1x16xf32>
        tpu.vector_store %arg8[%parallel_loop3A_251, %parallel_loop3A_252, %parallel_loop3A_253], %parallel_loop3A_256 {add = true, strides = array<i32>} : memref<4x8x2048xf32, #tpu.memory_space<vmem>>, vector<1x1x16xf32>,
      } {sc.loop_unroll_factor = 16 : i64, sc.parallel_access}
      %parallel_loop3A_196 = arith.constant 0 : i32
      %parallel_loop3A_197 = arith.constant 128 : i32
      %parallel_loop3A_198 = arith.constant 1 : i32
      scf.for %parallel_loop3A_242 = %parallel_loop3A_196 to %parallel_loop3A_197 step %parallel_loop3A_198  : i32 {
        %parallel_loop3A_243 = arith.constant 16 : i32
        %parallel_loop3A_244 = arith.muli %parallel_loop3A_242, %parallel_loop3A_243 : i32
        %parallel_loop3A_245 = arith.constant 2048 : i32
        %parallel_loop3A_246 = arith.addi %parallel_loop3A_245, %parallel_loop3A_244 : i32
        %parallel_loop3A_247 = arith.index_cast %parallel_loop3A_246 : i32 to index
        %parallel_loop3A_248 = tpu.vector_load %arg7[%parallel_loop3A_247] {strides = array<i32>} : memref<16384xf32, #tpu.memory_space<vmem>>, vector<16xf32>,
        %parallel_loop3A_249 = vector.shape_cast %parallel_loop3A_248 : vector<16xf32> to vector<16xf32>
        %parallel_loop3A_250 = arith.constant 1 : i32
        %parallel_loop3A_251 = arith.index_cast %and3A_169 : i32 to index
        %parallel_loop3A_252 = arith.index_cast %parallel_loop3A_250 : i32 to index
        %parallel_loop3A_253 = arith.index_cast %parallel_loop3A_244 : i32 to index
        %parallel_loop3A_254 = tpu.vector_load %arg8[%parallel_loop3A_251, %parallel_loop3A_252, %parallel_loop3A_253] {strides = array<i32>} : memref<4x8x2048xf32, #tpu.memory_space<vmem>>, vector<1x1x16xf32>,
        %parallel_loop3A_255 = vector.shape_cast %parallel_loop3A_254 : vector<1x1x16xf32> to vector<16xf32>
        %parallel_loop3A_256 = vector.shape_cast %parallel_loop3A_249 : vector<16xf32> to vector<1x1x16xf32>
        tpu.vector_store %arg8[%parallel_loop3A_251, %parallel_loop3A_252, %parallel_loop3A_253], %parallel_loop3A_256 {add = true, strides = array<i32>} : memref<4x8x2048xf32, #tpu.memory_space<vmem>>, vector<1x1x16xf32>,
      } {sc.loop_unroll_factor = 16 : i64, sc.parallel_access}
      %parallel_loop3A_199 = arith.constant 0 : i32
      %parallel_loop3A_200 = arith.constant 128 : i32
      %parallel_loop3A_201 = arith.constant 1 : i32
      scf.for %parallel_loop3A_242 = %parallel_loop3A_199 to %parallel_loop3A_200 step %parallel_loop3A_201  : i32 {
        %parallel_loop3A_243 = arith.constant 16 : i32
        %parallel_loop3A_244 = arith.muli %parallel_loop3A_242, %parallel_loop3A_243 : i32
        %parallel_loop3A_245 = arith.constant 4096 : i32
        %parallel_loop3A_246 = arith.addi %parallel_loop3A_245, %parallel_loop3A_244 : i32
        %parallel_loop3A_247 = arith.index_cast %parallel_loop3A_246 : i32 to index
        %parallel_loop3A_248 = tpu.vector_load %arg7[%parallel_loop3A_247] {strides = array<i32>} : memref<16384xf32, #tpu.memory_space<vmem>>, vector<16xf32>,
        %parallel_loop3A_249 = vector.shape_cast %parallel_loop3A_248 : vector<16xf32> to vector<16xf32>
        %parallel_loop3A_250 = arith.constant 2 : i32
        %parallel_loop3A_251 = arith.index_cast %and3A_169 : i32 to index
        %parallel_loop3A_252 = arith.index_cast %parallel_loop3A_250 : i32 to index
        %parallel_loop3A_253 = arith.index_cast %parallel_loop3A_244 : i32 to index
        %parallel_loop3A_254 = tpu.vector_load %arg8[%parallel_loop3A_251, %parallel_loop3A_252, %parallel_loop3A_253] {strides = array<i32>} : memref<4x8x2048xf32, #tpu.memory_space<vmem>>, vector<1x1x16xf32>,
        %parallel_loop3A_255 = vector.shape_cast %parallel_loop3A_254 : vector<1x1x16xf32> to vector<16xf32>
        %parallel_loop3A_256 = vector.shape_cast %parallel_loop3A_249 : vector<16xf32> to vector<1x1x16xf32>
        tpu.vector_store %arg8[%parallel_loop3A_251, %parallel_loop3A_252, %parallel_loop3A_253], %parallel_loop3A_256 {add = true, strides = array<i32>} : memref<4x8x2048xf32, #tpu.memory_space<vmem>>, vector<1x1x16xf32>,
      } {sc.loop_unroll_factor = 16 : i64, sc.parallel_access}
      %parallel_loop3A_202 = arith.constant 0 : i32
      %parallel_loop3A_203 = arith.constant 128 : i32
      %parallel_loop3A_204 = arith.constant 1 : i32
      scf.for %parallel_loop3A_242 = %parallel_loop3A_202 to %parallel_loop3A_203 step %parallel_loop3A_204  : i32 {
        %parallel_loop3A_243 = arith.constant 16 : i32
        %parallel_loop3A_244 = arith.muli %parallel_loop3A_242, %parallel_loop3A_243 : i32
        %parallel_loop3A_245 = arith.constant 6144 : i32
        %parallel_loop3A_246 = arith.addi %parallel_loop3A_245, %parallel_loop3A_244 : i32
        %parallel_loop3A_247 = arith.index_cast %parallel_loop3A_246 : i32 to index
        %parallel_loop3A_248 = tpu.vector_load %arg7[%parallel_loop3A_247] {strides = array<i32>} : memref<16384xf32, #tpu.memory_space<vmem>>, vector<16xf32>,
        %parallel_loop3A_249 = vector.shape_cast %parallel_loop3A_248 : vector<16xf32> to vector<16xf32>
        %parallel_loop3A_250 = arith.constant 3 : i32
        %parallel_loop3A_251 = arith.index_cast %and3A_169 : i32 to index
        %parallel_loop3A_252 = arith.index_cast %parallel_loop3A_250 : i32 to index
        %parallel_loop3A_253 = arith.index_cast %parallel_loop3A_244 : i32 to index
        %parallel_loop3A_254 = tpu.vector_load %arg8[%parallel_loop3A_251, %parallel_loop3A_252, %parallel_loop3A_253] {strides = array<i32>} : memref<4x8x2048xf32, #tpu.memory_space<vmem>>, vector<1x1x16xf32>,
        %parallel_loop3A_255 = vector.shape_cast %parallel_loop3A_254 : vector<1x1x16xf32> to vector<16xf32>
        %parallel_loop3A_256 = vector.shape_cast %parallel_loop3A_249 : vector<16xf32> to vector<1x1x16xf32>
        tpu.vector_store %arg8[%parallel_loop3A_251, %parallel_loop3A_252, %parallel_loop3A_253], %parallel_loop3A_256 {add = true, strides = array<i32>} : memref<4x8x2048xf32, #tpu.memory_space<vmem>>, vector<1x1x16xf32>,
      } {sc.loop_unroll_factor = 16 : i64, sc.parallel_access}
      %parallel_loop3A_205 = arith.constant 0 : i32
      %parallel_loop3A_206 = arith.constant 128 : i32
      %parallel_loop3A_207 = arith.constant 1 : i32
      scf.for %parallel_loop3A_242 = %parallel_loop3A_205 to %parallel_loop3A_206 step %parallel_loop3A_207  : i32 {
        %parallel_loop3A_243 = arith.constant 16 : i32
        %parallel_loop3A_244 = arith.muli %parallel_loop3A_242, %parallel_loop3A_243 : i32
        %parallel_loop3A_245 = arith.constant 8192 : i32
        %parallel_loop3A_246 = arith.addi %parallel_loop3A_245, %parallel_loop3A_244 : i32
        %parallel_loop3A_247 = arith.index_cast %parallel_loop3A_246 : i32 to index
        %parallel_loop3A_248 = tpu.vector_load %arg7[%parallel_loop3A_247] {strides = array<i32>} : memref<16384xf32, #tpu.memory_space<vmem>>, vector<16xf32>,
        %parallel_loop3A_249 = vector.shape_cast %parallel_loop3A_248 : vector<16xf32> to vector<16xf32>
        %parallel_loop3A_250 = arith.constant 4 : i32
        %parallel_loop3A_251 = arith.index_cast %and3A_169 : i32 to index
        %parallel_loop3A_252 = arith.index_cast %parallel_loop3A_250 : i32 to index
        %parallel_loop3A_253 = arith.index_cast %parallel_loop3A_244 : i32 to index
        %parallel_loop3A_254 = tpu.vector_load %arg8[%parallel_loop3A_251, %parallel_loop3A_252, %parallel_loop3A_253] {strides = array<i32>} : memref<4x8x2048xf32, #tpu.memory_space<vmem>>, vector<1x1x16xf32>,
        %parallel_loop3A_255 = vector.shape_cast %parallel_loop3A_254 : vector<1x1x16xf32> to vector<16xf32>
        %parallel_loop3A_256 = vector.shape_cast %parallel_loop3A_249 : vector<16xf32> to vector<1x1x16xf32>
        tpu.vector_store %arg8[%parallel_loop3A_251, %parallel_loop3A_252, %parallel_loop3A_253], %parallel_loop3A_256 {add = true, strides = array<i32>} : memref<4x8x2048xf32, #tpu.memory_space<vmem>>, vector<1x1x16xf32>,
      } {sc.loop_unroll_factor = 16 : i64, sc.parallel_access}
      %parallel_loop3A_208 = arith.constant 0 : i32
      %parallel_loop3A_209 = arith.constant 128 : i32
      %parallel_loop3A_210 = arith.constant 1 : i32
      scf.for %parallel_loop3A_242 = %parallel_loop3A_208 to %parallel_loop3A_209 step %parallel_loop3A_210  : i32 {
        %parallel_loop3A_243 = arith.constant 16 : i32
        %parallel_loop3A_244 = arith.muli %parallel_loop3A_242, %parallel_loop3A_243 : i32
        %parallel_loop3A_245 = arith.constant 10240 : i32
        %parallel_loop3A_246 = arith.addi %parallel_loop3A_245, %parallel_loop3A_244 : i32
        %parallel_loop3A_247 = arith.index_cast %parallel_loop3A_246 : i32 to index
        %parallel_loop3A_248 = tpu.vector_load %arg7[%parallel_loop3A_247] {strides = array<i32>} : memref<16384xf32, #tpu.memory_space<vmem>>, vector<16xf32>,
        %parallel_loop3A_249 = vector.shape_cast %parallel_loop3A_248 : vector<16xf32> to vector<16xf32>
        %parallel_loop3A_250 = arith.constant 5 : i32
        %parallel_loop3A_251 = arith.index_cast %and3A_169 : i32 to index
        %parallel_loop3A_252 = arith.index_cast %parallel_loop3A_250 : i32 to index
        %parallel_loop3A_253 = arith.index_cast %parallel_loop3A_244 : i32 to index
        %parallel_loop3A_254 = tpu.vector_load %arg8[%parallel_loop3A_251, %parallel_loop3A_252, %parallel_loop3A_253] {strides = array<i32>} : memref<4x8x2048xf32, #tpu.memory_space<vmem>>, vector<1x1x16xf32>,
        %parallel_loop3A_255 = vector.shape_cast %parallel_loop3A_254 : vector<1x1x16xf32> to vector<16xf32>
        %parallel_loop3A_256 = vector.shape_cast %parallel_loop3A_249 : vector<16xf32> to vector<1x1x16xf32>
        tpu.vector_store %arg8[%parallel_loop3A_251, %parallel_loop3A_252, %parallel_loop3A_253], %parallel_loop3A_256 {add = true, strides = array<i32>} : memref<4x8x2048xf32, #tpu.memory_space<vmem>>, vector<1x1x16xf32>,
      } {sc.loop_unroll_factor = 16 : i64, sc.parallel_access}
      %parallel_loop3A_211 = arith.constant 0 : i32
      %parallel_loop3A_212 = arith.constant 128 : i32
      %parallel_loop3A_213 = arith.constant 1 : i32
      scf.for %parallel_loop3A_242 = %parallel_loop3A_211 to %parallel_loop3A_212 step %parallel_loop3A_213  : i32 {
        %parallel_loop3A_243 = arith.constant 16 : i32
        %parallel_loop3A_244 = arith.muli %parallel_loop3A_242, %parallel_loop3A_243 : i32
        %parallel_loop3A_245 = arith.constant 12288 : i32
        %parallel_loop3A_246 = arith.addi %parallel_loop3A_245, %parallel_loop3A_244 : i32
        %parallel_loop3A_247 = arith.index_cast %parallel_loop3A_246 : i32 to index
        %parallel_loop3A_248 = tpu.vector_load %arg7[%parallel_loop3A_247] {strides = array<i32>} : memref<16384xf32, #tpu.memory_space<vmem>>, vector<16xf32>,
        %parallel_loop3A_249 = vector.shape_cast %parallel_loop3A_248 : vector<16xf32> to vector<16xf32>
        %parallel_loop3A_250 = arith.constant 6 : i32
        %parallel_loop3A_251 = arith.index_cast %and3A_169 : i32 to index
        %parallel_loop3A_252 = arith.index_cast %parallel_loop3A_250 : i32 to index
        %parallel_loop3A_253 = arith.index_cast %parallel_loop3A_244 : i32 to index
        %parallel_loop3A_254 = tpu.vector_load %arg8[%parallel_loop3A_251, %parallel_loop3A_252, %parallel_loop3A_253] {strides = array<i32>} : memref<4x8x2048xf32, #tpu.memory_space<vmem>>, vector<1x1x16xf32>,
        %parallel_loop3A_255 = vector.shape_cast %parallel_loop3A_254 : vector<1x1x16xf32> to vector<16xf32>
        %parallel_loop3A_256 = vector.shape_cast %parallel_loop3A_249 : vector<16xf32> to vector<1x1x16xf32>
        tpu.vector_store %arg8[%parallel_loop3A_251, %parallel_loop3A_252, %parallel_loop3A_253], %parallel_loop3A_256 {add = true, strides = array<i32>} : memref<4x8x2048xf32, #tpu.memory_space<vmem>>, vector<1x1x16xf32>,
      } {sc.loop_unroll_factor = 16 : i64, sc.parallel_access}
      %parallel_loop3A_214 = arith.constant 0 : i32
      %parallel_loop3A_215 = arith.constant 128 : i32
      %parallel_loop3A_216 = arith.constant 1 : i32
      scf.for %parallel_loop3A_242 = %parallel_loop3A_214 to %parallel_loop3A_215 step %parallel_loop3A_216  : i32 {
        %parallel_loop3A_243 = arith.constant 16 : i32
        %parallel_loop3A_244 = arith.muli %parallel_loop3A_242, %parallel_loop3A_243 : i32
        %parallel_loop3A_245 = arith.constant 14336 : i32
        %parallel_loop3A_246 = arith.addi %parallel_loop3A_245, %parallel_loop3A_244 : i32
        %parallel_loop3A_247 = arith.index_cast %parallel_loop3A_246 : i32 to index
        %parallel_loop3A_248 = tpu.vector_load %arg7[%parallel_loop3A_247] {strides = array<i32>} : memref<16384xf32, #tpu.memory_space<vmem>>, vector<16xf32>,
        %parallel_loop3A_249 = vector.shape_cast %parallel_loop3A_248 : vector<16xf32> to vector<16xf32>
        %parallel_loop3A_250 = arith.constant 7 : i32
        %parallel_loop3A_251 = arith.index_cast %and3A_169 : i32 to index
        %parallel_loop3A_252 = arith.index_cast %parallel_loop3A_250 : i32 to index
        %parallel_loop3A_253 = arith.index_cast %parallel_loop3A_244 : i32 to index
        %parallel_loop3A_254 = tpu.vector_load %arg8[%parallel_loop3A_251, %parallel_loop3A_252, %parallel_loop3A_253] {strides = array<i32>} : memref<4x8x2048xf32, #tpu.memory_space<vmem>>, vector<1x1x16xf32>,
        %parallel_loop3A_255 = vector.shape_cast %parallel_loop3A_254 : vector<1x1x16xf32> to vector<16xf32>
        %parallel_loop3A_256 = vector.shape_cast %parallel_loop3A_249 : vector<16xf32> to vector<1x1x16xf32>
        tpu.vector_store %arg8[%parallel_loop3A_251, %parallel_loop3A_252, %parallel_loop3A_253], %parallel_loop3A_256 {add = true, strides = array<i32>} : memref<4x8x2048xf32, #tpu.memory_space<vmem>>, vector<1x1x16xf32>,
      } {sc.loop_unroll_factor = 16 : i64, sc.parallel_access}
      %dma_start3A_217 = arith.constant 0 : i32
      %dma_start3A_218 = arith.constant 0 : i32
      %dma_start3A_219 = tpu.memref_slice %arg8[%and3A_169, %dma_start3A_217, %dma_start3A_218] : memref<4x8x2048xf32, #tpu.memory_space<vmem>> -> memref<1x8x2048xf32, #tpu.memory_space<vmem>>
      %dma_start3A_220 = tpu.memref_squeeze %dma_start3A_219 : memref<1x8x2048xf32, #tpu.memory_space<vmem>> -> memref<8x2048xf32, #tpu.memory_space<vmem>>
      %dma_start3A_221 = arith.constant 0 : i32
      %dma_start3A_222 = tpu.memref_slice %arg5[%and3A_167, %add3A_172, %dma_start3A_221] : memref<4x4096x2048xf32, #tpu.memory_space<hbm>> -> memref<1x8x2048xf32, #tpu.memory_space<hbm>>
      %dma_start3A_223 = tpu.memref_squeeze %dma_start3A_222 : memref<1x8x2048xf32, #tpu.memory_space<hbm>> -> memref<8x2048xf32, #tpu.memory_space<hbm>>
      %dma_start3A_224 = tpu.memref_slice %arg11[%and3A_169] : memref<4x!tpu.dma_semaphore, #tpu.memory_space<semaphore_mem>> -> memref<1x!tpu.dma_semaphore, #tpu.memory_space<semaphore_mem>>
      %dma_start3A_225 = tpu.memref_squeeze %dma_start3A_224 : memref<1x!tpu.dma_semaphore, #tpu.memory_space<semaphore_mem>> -> memref<!tpu.dma_semaphore, #tpu.memory_space<semaphore_mem>>
      %dma_start3A_226 = arith.constant 0 : i32
      %dma_start3A_227 = tpu.memref_slice %arg5[%and3A_167, %add3A_172, %dma_start3A_226] : memref<4x4096x2048xf32, #tpu.memory_space<hbm>> -> memref<1x8x2048xf32, #tpu.memory_space<hbm>>
      %dma_start3A_228 = tpu.memref_squeeze %dma_start3A_227 : memref<1x8x2048xf32, #tpu.memory_space<hbm>> -> memref<8x2048xf32, #tpu.memory_space<hbm>>
      %dma_start3A_229 = arith.constant 0 : i32
      %dma_start3A_230 = arith.constant 0 : i32
      %dma_start3A_231 = tpu.memref_slice %arg8[%and3A_169, %dma_start3A_229, %dma_start3A_230] : memref<4x8x2048xf32, #tpu.memory_space<vmem>> -> memref<1x8x2048xf32, #tpu.memory_space<vmem>>
      %dma_start3A_232 = tpu.memref_squeeze %dma_start3A_231 : memref<1x8x2048xf32, #tpu.memory_space<vmem>> -> memref<8x2048xf32, #tpu.memory_space<vmem>>
      tpu.enqueue_dma source(%dma_start3A_232 : memref<8x2048xf32, #tpu.memory_space<vmem>>) target(%dma_start3A_228 : memref<8x2048xf32, #tpu.memory_space<hbm>>) target_semaphore(%dma_start3A_225 : memref<!tpu.dma_semaphore, #tpu.memory_space<semaphore_mem>>)
      %eq3A_233 = arith.constant 3 : i32
      %eq3A_234 = arith.cmpi eq, %and3A_167, %eq3A_233 : i32
      %lt3A_235 = arith.constant 63 : i32
      %lt3A_236 = arith.cmpi slt, %scan3A_164, %lt3A_235 : i32
      %and3A_237 = arith.andi %eq3A_234, %lt3A_236 : i1
      %convert_element_type3A_238 = arith.extui %and3A_237 : i1 to i32
      %cond3A_239 = arith.constant 0 : i32
      %cond3A_240 = arith.cmpi ne, %convert_element_type3A_238, %cond3A_239 : i32
      scf.if %cond3A_240 {
        %add3A_242 = arith.constant 8 : i32
        %add3A_243 = arith.addi %add3A_172, %add3A_242 : i32
        %mul3A_244 = arith.constant 2048 : i32
        %mul3A_245 = arith.muli %add3A_243, %mul3A_244 : i32
        %dma_start3A_246 = tpu.memref_slice %arg3[%mul3A_245] : memref<8388608xf32, #tpu.memory_space<hbm>> -> memref<16384xf32, #tpu.memory_space<hbm>>
        %dma_start3A_247 = tpu.memref_slice %arg3[%mul3A_245] : memref<8388608xf32, #tpu.memory_space<hbm>> -> memref<16384xf32, #tpu.memory_space<hbm>>
        tpu.enqueue_dma source(%dma_start3A_247 : memref<16384xf32, #tpu.memory_space<hbm>>) target(%arg7 : memref<16384xf32, #tpu.memory_space<vmem>>) target_semaphore(%arg12 : memref<!tpu.dma_semaphore, #tpu.memory_space<semaphore_mem>>)
      } else {
      }
      %scan3A_241 = arith.constant 0 : i32
      scf.yield %scan3A_241 : i32
    }
    %scan3A_142 = arith.constant 64 : i32
    %add3A_143 = arith.constant 120 : i32
    %add3A_144 = arith.addi %mul3A_2, %add3A_143 : i32
    %dma_wait3A_145 = arith.constant 3 : i32
    %dma_wait3A_146 = arith.constant 3 : i32
    %dma_wait3A_147 = arith.constant 3 : i32
    %dma_wait3A_148 = arith.constant 0 : i32
    %dma_wait3A_149 = arith.constant 0 : i32
    %dma_wait3A_150 = tpu.memref_slice %arg8[%dma_wait3A_145, %dma_wait3A_148, %dma_wait3A_149] : memref<4x8x2048xf32, #tpu.memory_space<vmem>> -> memref<1x8x2048xf32, #tpu.memory_space<vmem>>
    %dma_wait3A_151 = tpu.memref_squeeze %dma_wait3A_150 : memref<1x8x2048xf32, #tpu.memory_space<vmem>> -> memref<8x2048xf32, #tpu.memory_space<vmem>>
    %dma_wait3A_152 = arith.constant 0 : i32
    %dma_wait3A_153 = tpu.memref_slice %arg5[%dma_wait3A_146, %add3A_144, %dma_wait3A_152] : memref<4x4096x2048xf32, #tpu.memory_space<hbm>> -> memref<1x8x2048xf32, #tpu.memory_space<hbm>>
    %dma_wait3A_154 = tpu.memref_squeeze %dma_wait3A_153 : memref<1x8x2048xf32, #tpu.memory_space<hbm>> -> memref<8x2048xf32, #tpu.memory_space<hbm>>
    %dma_wait3A_155 = tpu.memref_slice %arg11[%dma_wait3A_147] : memref<4x!tpu.dma_semaphore, #tpu.memory_space<semaphore_mem>> -> memref<1x!tpu.dma_semaphore, #tpu.memory_space<semaphore_mem>>
    %dma_wait3A_156 = tpu.memref_squeeze %dma_wait3A_155 : memref<1x!tpu.dma_semaphore, #tpu.memory_space<semaphore_mem>> -> memref<!tpu.dma_semaphore, #tpu.memory_space<semaphore_mem>>
    %dma_wait3A_157 = arith.constant 0 : i32
    %dma_wait3A_158 = tpu.memref_slice %arg5[%dma_wait3A_146, %add3A_144, %dma_wait3A_157] : memref<4x4096x2048xf32, #tpu.memory_space<hbm>> -> memref<1x8x2048xf32, #tpu.memory_space<hbm>>
    %dma_wait3A_159 = tpu.memref_squeeze %dma_wait3A_158 : memref<1x8x2048xf32, #tpu.memory_space<hbm>> -> memref<8x2048xf32, #tpu.memory_space<hbm>>
    %dma_wait3A_160 = arith.constant 0 : i32
    %dma_wait3A_161 = arith.constant 0 : i32
    %dma_wait3A_162 = tpu.memref_slice %arg8[%dma_wait3A_145, %dma_wait3A_160, %dma_wait3A_161] : memref<4x8x2048xf32, #tpu.memory_space<vmem>> -> memref<1x8x2048xf32, #tpu.memory_space<vmem>>
    %dma_wait3A_163 = tpu.memref_squeeze %dma_wait3A_162 : memref<1x8x2048xf32, #tpu.memory_space<vmem>> -> memref<8x2048xf32, #tpu.memory_space<vmem>>
    tpu.wait_dma2 semaphore(%dma_wait3A_156 : memref<!tpu.dma_semaphore, #tpu.memory_space<semaphore_mem>>) src(%dma_wait3A_163 : memref<8x2048xf32, #tpu.memory_space<vmem>>) dst(%dma_wait3A_159 : memref<8x2048xf32, #tpu.memory_space<hbm>>)
    return
  }
}

</mosaic_0001>

<sc_bundles>
// kernel: kernel.3.cloned.1.call-start
scs
__scs_entry_jumppad:
0x0: {  	(pc) =	sbr.rel $0x88, $3  }
0x1: {  	(tag) =	ssettag $0x0;
	lr =	simm.s32 $0x1  }
0x2: {  	[smem:$0x3F9F] =	sst lr;
	_ =	strace $0xD0000000  }
0x3: {  	_ = 	snop  }
0x4: {  	_ = 	snop  }
0x5: {  	_ = 	snop  }
0x6: {  	_ = 	snop  }
0x7: {  	_ = 	snop  }
__scs_overlays_trampoline_lowered:
0x8: {  	[smem:$0x3FAE] =	sst s0  }
0x9: {  	[smem:$0x3FAF] =	sst s1  }
0xa: {  	[smem:$0x3FB0] =	sst s2  }
0xb: {  	[smem:$0x3FB1] =	sst s3  }
0xc: {  	[smem:$0x3FB2] =	sst s4  }
0xd: {  	[smem:$0x3FB3] =	sst s5  }
0xe: {  	[smem:$0x3FB4] =	sst s6  }
0xf: {  	[smem:$0x3FB5] =	sst s7  }
0x10: {  	[smem:$0x3FB6] =	sst s8  }
0x11: {  	[smem:$0x3FB7] =	sst s9;
	s0 =	simm.s32 @!p0 $0x0  }
0x12: {  	s1 =	sld [smem:$0x3F9D];
	s0 =	simm.s32 @p0 $0x1  }
0x13: {  	[smem:$0x3FB8] =	sst s0;
	s0 =	simm.s32 @!p1 $0x0  }
0x14: {  	s2 =	sld [smem:$0x3F9C];
	s0 =	simm.s32 @p1 $0x1  }
0x15: {  	[smem:$0x3FB9] =	sst s0;
	s0 =	simm.s32 @!p2 $0x0  }
0x16: {  	s3 =	sld [smem:$0x3FDB];
	s0 =	simm.s32 @p2 $0x1  }
0x17: {  	s4 =	simm.s32 $0x1BF5;
	[smem:$0x3FBB] =	sst s0  }
0x18: {  	s0 =	sld [smem:$0x3F9E];
	_ =	swait.ge [sflag:s4], $0x0  }
0x19: {  	s7 =	sld [smem:$0x3F9F]  }
0x1a: {  	s8 =	sadd.s32 $0xFFFFE003, lr  }
0x1b: {  	s9 =	sadd.s32 $0xFFFFFEF7, lr;
	s5 =	simm.s32 $0xFFFFFFFF;
	p2 =	slt.u32 s8, $0xFFFFF086  }
0x1c: {  	p1 =	slt.u32 s9, $0xF7A;
	s5 =	simm.s32 @!p2 $0x0  }
0x1d: {  	s5 =	simm.s32 @p1 $0x1;
	p0 =	seq.s32 s7, s2  }
0x1e: {  	s7 =	smul.u32 @!p0 $0xF7A, s2;
	p2 =	seq.s32 @!p0 s5, $0x0  }
0x1f: {  	s9 =	smul.u32 $0xF7A, s1;
	s8 =	simm.s32 @!p0 $0x1BF5;
	p2 =	por !p2, p0  }
0x20: {  	[sflag:s8] =	ssyncset.s32 @!p0 $0xFFFFF086;
	s6 =	sadd.s32 @!p0 s3, s7;
	s7 =	simm.s32 @!p0 $0x108  }
0x21: {  	s3 =	sadd.s32 s3, s9;
	s6 =	sadd.s32 @!p0 $0x88, s6;
	s7 =	simm.s32 @p2 $0x1082  }
0x22: {  	[simem:s7], [sflag:s8] =	dma.local @!p0 [hbm:s6], $0xF7A  }
0x23: {  	s9 =	sor.u32 $0xD0000000, s2;
	s6 =	simm.s32 $0x108;
	_ =	swait.ge @!p0 [sflag:s8], $0x0  }
0x24: {  	s3 =	sadd.s32 $0x88, s3;
	s6 =	simm.s32 @!p1 $0x1082;
	[sflag:s4] =	ssyncset.s32 $0xFFFFF086  }
0x25: {  	[simem:s6], [sflag:s4] =	dma.local [hbm:s3], $0xF7A  }
0x26: {  	[smem:$0x3F9F] =	sst s1;
	(tag) =	ssettag s2;
	_ =	strace s9  }
0x27: {  	s1 =	sld [smem:$0x3FAF]  }
0x28: {  	s2 =	sld [smem:$0x3FB0]  }
0x29: {  	s4 =	sld [smem:$0x3FB2]  }
0x2a: {  	p0 =	seq.s32 s5, $0x0;
	s5 =	sld [smem:$0x3FB3]  }
0x2b: {  	s6 =	sld [smem:$0x3FB4]  }
0x2c: {  	s7 =	sld [smem:$0x3FB5]  }
0x2d: {  	s3 =	simm.s32 $0x108;
	s8 =	sld [smem:$0x3FB6]  }
0x2e: {  	s3 =	simm.s32 @!p0 $0x1082;
	s9 =	sld [smem:$0x3FB7]  }
0x2f: {  	lr =	sadd.s32 s0, s3;
	s0 =	sld [smem:$0x3FAE]  }
0x30: {  	s3 =	sld [smem:$0x3FB1]  }
0x31: {  	[smem:$0x3FBA] =	sst s10  }
0x32: {  	s10 =	sld [smem:$0x3FB8];
	_ =	sdelay $0x3  }
0x33: {  	p0 =	seq.s32 s10, $0x1;
	s10 =	sld [smem:$0x3FBA];
	_ =	sdelay $0x3  }
0x34: {  	[smem:$0x3FBA] =	sst s10  }
0x35: {  	s10 =	sld [smem:$0x3FB9];
	_ =	sdelay $0x3  }
0x36: {  	p1 =	seq.s32 s10, $0x1;
	s10 =	sld [smem:$0x3FBA];
	_ =	sdelay $0x3  }
0x37: {  	[smem:$0x3FBA] =	sst s10  }
0x38: {  	s10 =	sld [smem:$0x3FBB]  }
0x39: {  	_ = 	snop;
	(pc) =	sbr.ind lr, $3  }
0x3a: {  	_ = 	snop  }
0x3b: {  	_ = 	snop  }
0x3c: {  	p2 =	seq.s32 s10, $0x1;
	s10 =	sld [smem:$0x3FBA]  }
0x3d: {  	_ =	shalt  }
0x3e: {  	_ =	shalt  }
0x3f: {  	_ =	shalt  }
0x40: {  	_ =	shalt  }
0x41: {  	_ =	shalt  }
0x42: {  	_ =	shalt  }
0x43: {  	_ =	shalt  }
0x44: {  	_ =	shalt  }
0x45: {  	_ =	shalt  }
0x46: {  	_ =	shalt  }
0x47: {  	_ =	shalt  }
0x48: {  	_ =	shalt  }
0x49: {  	_ =	shalt  }
0x4a: {  	_ =	shalt  }
0x4b: {  	_ =	shalt  }
0x4c: {  	_ =	shalt  }
0x4d: {  	_ =	shalt  }
0x4e: {  	_ =	shalt  }
0x4f: {  	_ =	shalt  }
0x50: {  	_ =	shalt  }
0x51: {  	_ =	shalt  }
0x52: {  	_ =	shalt  }
0x53: {  	_ =	shalt  }
0x54: {  	_ =	shalt  }
0x55: {  	_ =	shalt  }
0x56: {  	_ =	shalt  }
0x57: {  	_ =	shalt  }
0x58: {  	_ =	shalt  }
0x59: {  	_ =	shalt  }
0x5a: {  	_ =	shalt  }
0x5b: {  	_ =	shalt  }
0x5c: {  	_ =	shalt  }
0x5d: {  	_ =	shalt  }
0x5e: {  	_ =	shalt  }
0x5f: {  	_ =	shalt  }
0x60: {  	_ =	shalt  }
0x61: {  	_ =	shalt  }
0x62: {  	_ =	shalt  }
0x63: {  	_ =	shalt  }
0x64: {  	_ =	shalt  }
0x65: {  	_ =	shalt  }
0x66: {  	_ =	shalt  }
0x67: {  	_ =	shalt  }
0x68: {  	_ =	shalt  }
0x69: {  	_ =	shalt  }
0x6a: {  	_ =	shalt  }
0x6b: {  	_ =	shalt  }
0x6c: {  	_ =	shalt  }
0x6d: {  	_ =	shalt  }
0x6e: {  	_ =	shalt  }
0x6f: {  	_ =	shalt  }
0x70: {  	_ =	shalt  }
0x71: {  	_ =	shalt  }
0x72: {  	_ =	shalt  }
0x73: {  	_ =	shalt  }
0x74: {  	_ =	shalt  }
0x75: {  	_ =	shalt  }
0x76: {  	_ =	shalt  }
0x77: {  	_ =	shalt  }
0x78: {  	_ =	shalt  }
0x79: {  	_ =	shalt  }
0x7a: {  	_ =	shalt  }
0x7b: {  	_ =	shalt  }
0x7c: {  	_ =	shalt  }
0x7d: {  	_ =	shalt  }
0x7e: {  	_ =	shalt  }
0x7f: {  	_ =	shalt  }
0x80: {  	_ =	shalt  }
0x81: {  	_ =	shalt  }
0x82: {  	_ =	shalt  }
0x83: {  	_ =	shalt  }
0x84: {  	_ =	shalt  }
0x85: {  	_ =	shalt  }
0x86: {  	_ =	shalt  }
0x87: {  	_ =	shalt  }
.Lfunc_end0:
.L_simem_size_0:
called_computation_lowered:
.L_overlay_start_0:
0x88: {  	s2 =	sld [smem:$0x3FD9]  }
0x89: {  	s3 =	sld [smem:$0x3FFE];
	_ =	sdelay $0x1  }
0x8a: {  	s1 =	srdreg.scid  }
0x8b: {  	s0 =	sand.u32 $0x1, s1  }
0x8c: {  	s17 =	sshll.u32 s0, $0xA;
	s2 =	sadd.s32 s3, s2  }
0x8d: {  	s2 =	sadd.s32 s2, s17  }
0x8e: {  	[smem:$0x3FC6] =	sst s2  }
0x8f: {  	_ = 	snop  }
0x90: {  	s2 =	sld [smem:$0x3FC9]  }
0x91: {  	s18 =	sld [smem:$0x3FC8]  }
0x92: {  	s4 =	sld [smem:$0x3FD0];
	(tm) =	ssettm $0x1  }
0x93: {  	s5 =	sld [smem:$0x3FFB];
	_ =	sdelay $0x3  }
0x94: {  	_ =	strace s5  }
0x95: {  	s5 =	sld [smem:$0x3FFC];
	_ =	sdelay $0x3  }
0x96: {  	_ =	strace s5  }
0x97: {  	s5 =	sld [smem:$0x3FFD];
	_ =	sdelay $0x3  }
0x98: {  	_ =	strace s5  }
0x99: {  	_ =	strace $0x8FFFFFFF  }
0x9a: {  	s19 =	sld [smem:$0x3FDB];
	_ =	sdelay $0x1  }
0x9b: {  	s6 =	simm.s32 $_scs_section_size  }
0x9c: {  	s7 =	simm.s32 $_size__tile_overlayer_lowered;
	s8 =	simm.s32 $_tile_overlayer_lowered  }
0x9d: {  	s22 =	simm.s32 $0x1BFF;
	s21 =	sshll.u32 s8, $0x1;
	s5 =	sadd.s32 s6, s19  }
0x9e: {  	s9 =	simm.s32 $0x0;
	s20 =	sshll.u32 s7, $0x1;
	s7 =	sadd.s32 s21, s5  }
0x9f: {  	[timem:s9], [sflag:s22] =	dma.local [hbm:s7], s20  }
0xa0: {  	_ =	swait.ge [sflag:s22], s20  }
0xa1: {  	s6 =	ssub.s32 $0x0, s20;
	[sflag:s22] =	ssyncset.done $0x0  }
0xa2: {  	[sflag:s22] =	ssyncadd.s32 s6;
	_ =	sdelay $0x1  }
0xa3: {  	s23 =	simm.s32 $0x1B8B  }
0xa4: {  	_ =	swait.ge [sflag:s23], $0x1  }
0xa5: {  	[sflag:s23] =	ssyncset.done $0x0  }
0xa6: {  	s25 =	simm.s32 $0x1B8E;
	s24 =	sld [smem:$0x3FFE];
	[sflag:s23] =	ssyncadd.s32 $0xFFFFFFFF  }
0xa7: {  	s26 =	simm.s32 $execute0_lowered;
	[smem:$0x3FD2] =	sst s25  }
0xa8: {  	s7 =	sshll.u32 s26, $0x1;
	_ =	strace $0x80000046;
	[dreg:$0x1] =	wrdreg $0xFFFFFFFF  }
0xa9: {  	s28 =	simm.s32 $_size_execute0_lowered;
	s5 =	sadd.s32 s5, s7;
	[dreg:$0x0] =	wrdreg $0x0  }
0xaa: {  	s7 =	sshll.u32 s28, $0x1;
	[dreg:$0x2] =	wrdreg s5  }
0xab: {  	[dreg:$0x3] =	wrdreg s7  }
0xac: {  	[dreg:$0x4] =	wrdreg $0xC0  }
0xad: {  	_ =	task [dreg:s9], $0x5FFFF  }
0xae: {  	[dreg:$0x1] =	wrdreg $0xFFFFFFFF  }
0xaf: {  	[dreg:$0x0] =	wrdreg $0x60  }
0xb0: {  	[dreg:$0x2] =	wrdreg s2  }
0xb1: {  	[dreg:$0x3] =	wrdreg s24  }
0xb2: {  	[dreg:$0x4] =	wrdreg s18  }
0xb3: {  	[dreg:$0x5] =	wrdreg s4  }
0xb4: {  	[dreg:$0x6] =	wrdreg $0x9  }
0xb5: {  	_ =	task.clear_ibuf [dreg:s9], $0x7FFFF;
	_ =	strace $0x90000046  }
0xb6: {  	s29 =	simm.s32 $0x9;
	_ =	strace $0x80000048  }
0xb7: {  	_ =	swait.ge [sflag:s29], $0x1  }
0xb8: {  	[sflag:s29] =	ssyncadd.s32 $0xFFFFFFFF  }
0xb9: {  	_ =	strace $0x90000048  }
0xba: {  	_ =	sfence  }
0xbb: {  	s30 =	sld [smem:$0x0];
	_ =	sdelay $0x2  }
0xbc: {  	s31 =	sshll.u32 s1, $0xD;
	s1 =	sshrl.u32 s1, $0x2  }
0xbd: {  	s3 =	sand.u32 $0x4000, s31;
	s1 =	sadd.s32 s1, s30  }
0xbe: {  	s0 =	sor.u32 s3, s0;
	s1 =	sshll.u32 s1, $0x11  }
0xbf: {  	s0 =	sor.u32 s1, s0  }
0xc0: {  	s0 =	sadd.s32 $0x8F2B, s0  }
0xc1: {  	[sflag:s0] =	ssyncadd.remote.s32 $0x1  }
0xc2: {  	_ =	sfence.sel $0xFFFF  }
0xc3: {  	[dreg:$0x0] =	wrdreg $0xFFFFFFFF;
	(pc) =	sbr.abs _section_cstart, $3  }
0xc4: {  	[dreg:$0x1] =	wrdreg $0xFFFFFFFF  }
0xc5: {  	_ =	task.clear_ibuf [dreg:s9], $0x2FFFF;
	_ =	strace $0x9FFFFFFF  }
0xc6: {  	(tm) =	ssettm $0x7FFFFFFF  }
0xc7: {  	_ =	shalt  }
tec
execute0_lowered:
.L_overlay_start_1:
0x0: {  	(tag) =	ssettag $0x1  }
0x1: {  	s0 =	rddreg [dreg:$0x0]  }
0x2: {  	s2 =	rddreg [dreg:$0x1]  }
0x3: {  	s1 =	rddreg [dreg:$0x2]  }
0x4: {  	s3 =	rddreg [dreg:$0x3];
	s4 =	simm.s32 $0x0  }
0x5: {  	s5 =	srdreg.scid;
	s6 =	stileid.u32;
	s23 =	simm.s32 $0x1  }
0x6: {  	s25 =	simm.s32 $0x2;
	s28 =	simm.s32 $0x0;
	[smem:$0x7FF] =	sst s4  }
0x7: {  	s5 =	sand.u32 $0x1, s5;
	s6 =	sshll.u32 s6, $0x1;
	s11 =	sadd.s32 $0x100, s1  }
0x8: {  	s12 =	sadd.s32 $0x200, s1;
	s13 =	sadd.s32 $0x300, s1;
	s6 =	sor.u32 s5, s6  }
0x9: {  	s7 =	ssub.s32 $0x2, s5;
	s5 =	sshll.u32 s6, $0xF;
	s6 =	sshll.u32 s6, $0x6  }
0xa: {  	s14 =	sadd.s32 $0x400, s1;
	s15 =	sadd.s32 $0x500, s1;
	s0 =	sadd.s32 s0, s6  }
0xb: {  	_ =	strace $0x80000047;
	s6 =	sadd.s32 $0x10, s0;
	[dreg:$0x5] =	wrdreg s0  }
0xc: {  	s8 =	sshrl.u32 s7, $0x1;
	s29 =	sadd.s32 $0x20, s0;
	[dreg:$0x6] =	wrdreg s6  }
0xd: {  	s9 =	sadd.s32 s5, s2;
	s0 =	sadd.s32 $0x30, s0;
	[dreg:$0x7] =	wrdreg s29  }
0xe: {  	v0 =	vlaneseq.u32;
	s7 =	ssub.s32 s7, s8;
	s30 =	sadd.s32 $0x400, s9;
	[dreg:$0x8] =	wrdreg s0  }
0xf: {  	s16 =	sadd.s32 $0x600, s1;
	v1 =	vshrl.u32 v0, $0x3;
	s31 =	smax.u32 s7, $0x1;
	[dreg:$0x9] =	wrdreg s30  }
0x10: {  	vm0 =	vmmov $0xffff;
	s17 =	sadd.s32 $0x700, s1;
	s18 =	sadd.s32 $0xC00, s2;
	v0 =	vand.u32 $0x7, v0;
	v1 =	vmul.u32 $0x8, v1;
	[dreg:$0xa] =	wrdreg s31  }
.LBB2_1:
0x11: {  	s0 =	rddreg [dreg:$0x5]  }
0x12: {  	[tilespmem:s4], [sflag:$0x1] =	stream.linear.gather [hbm4b:s0+s4], $0x80, $0x38;
	[tilespmem:$0x14200] =	vst v63  }
0x13: {  	s21 =	rddreg [dreg:$0x6];
	s2 =	simm.s32 $0x80  }
0x14: {  	[tilespmem:s2], [sflag:$0x1] =	stream.linear.gather [hbm4b:s21+s4], $0x80, $0x38;
	[tilespmem:$0x14200] =	vst v63  }
0x15: {  	s22 =	rddreg [dreg:$0x7];
	s24 =	simm.s32 $0x100  }
0x16: {  	[tilespmem:s24], [sflag:$0x1] =	stream.linear.gather [hbm4b:s22+s4], $0x80, $0x38;
	[tilespmem:$0x14200] =	vst v63  }
0x17: {  	s26 =	rddreg [dreg:$0x8];
	s31 =	simm.s32 $0x180  }
0x18: {  	[tilespmem:s31], [sflag:$0x1] =	stream.linear.gather [hbm4b:s26+s4], $0x80, $0x38;
	[tilespmem:$0x14200] =	vst v63  }
0x19: {  	_ =	swait.ge [sflag:s23], $0x80  }
0x1a: {  	[sflag:s23] =	ssyncset.done $0x0  }
0x1b: {  	[sflag:s23] =	ssyncadd.s32 $0xFFFFFF80  }
0x1c: {  	_ =	swait.ge [sflag:s23], $0x80  }
0x1d: {  	[sflag:s23] =	ssyncset.done $0x0  }
0x1e: {  	[sflag:s23] =	ssyncadd.s32 $0xFFFFFF80  }
0x1f: {  	_ =	swait.ge [sflag:s23], $0x80  }
0x20: {  	[sflag:s23] =	ssyncset.done $0x0  }
0x21: {  	[sflag:s23] =	ssyncadd.s32 $0xFFFFFF80  }
0x22: {  	_ =	swait.ge [sflag:s23], $0x80  }
0x23: {  	[sflag:s23] =	ssyncset.done $0x0  }
0x24: {  	s6 =	simm.s32 $0x200;
	s2 =	rddreg [dreg:$0x9];
	[sflag:s23] =	ssyncadd.s32 $0xFFFFFF80  }
0x25: {  	[tilespmem:s6], [sflag:$0x7] =	stream.linear.gather [hbm4b:s2+s4], $0x4000, $0x38;
	[tilespmem:$0x14200] =	vst v63  }
0x26: {  	v2 =	vld.msk [tilespmem:$0x0], $0xff;
	_ =	sdelay $0x4  }
0x27: {  	v3 =	vshll.u32 v2, $0x4  }
0x28: {  	v2 =	vand.u32 $0x7, v2;
	v3 =	vand.u32 $0xFFFFFF80, v3  }
0x29: {  	v2 =	vor.u32 v2, v3  }
0x2a: {  	v2 =	vperm.xlane v2, v0;
	_ =	sdelay $0x1  }
0x2b: {  	v2 =	vadd.s32 v1, v2;
	_ =	sdelay $0x3  }
0x2c: {  	s7 =	simm.s32 $0x4200  }
0x2d: {  	[tilespmem:s7], [sflag:$0x2] =	stream.indirect_vreg.gather [hbm4b:s1+s4], $0x80, v2, vm0, $0xb8;
	[tilespmem:$0x14200] =	vst v63  }
0x2e: {  	s8 =	simm.s32 $0x4A00  }
0x2f: {  	[tilespmem:s8], [sflag:$0x2] =	stream.indirect_vreg.gather [hbm4b:s11+s4], $0x80, v2, vm0, $0xb8;
	[tilespmem:$0x14200] =	vst v63  }
0x30: {  	s9 =	simm.s32 $0x5200  }
0x31: {  	[tilespmem:s9], [sflag:$0x2] =	stream.indirect_vreg.gather [hbm4b:s12+s4], $0x80, v2, vm0, $0xb8;
	[tilespmem:$0x14200] =	vst v63  }
0x32: {  	s10 =	simm.s32 $0x5A00  }
0x33: {  	[tilespmem:s10], [sflag:$0x2] =	stream.indirect_vreg.gather [hbm4b:s13+s4], $0x80, v2, vm0, $0xb8;
	[tilespmem:$0x14200] =	vst v63  }
0x34: {  	s19 =	simm.s32 $0x6200  }
0x35: {  	[tilespmem:s19], [sflag:$0x2] =	stream.indirect_vreg.gather [hbm4b:s14+s4], $0x80, v2, vm0, $0xb8;
	[tilespmem:$0x14200] =	vst v63  }
0x36: {  	s20 =	simm.s32 $0x6A00  }
0x37: {  	[tilespmem:s20], [sflag:$0x2] =	stream.indirect_vreg.gather [hbm4b:s15+s4], $0x80, v2, vm0, $0xb8;
	[tilespmem:$0x14200] =	vst v63  }
0x38: {  	s21 =	simm.s32 $0x7200  }
0x39: {  	[tilespmem:s21], [sflag:$0x2] =	stream.indirect_vreg.gather [hbm4b:s16+s4], $0x80, v2, vm0, $0xb8;
	[tilespmem:$0x14200] =	vst v63  }
0x3a: {  	s22 =	simm.s32 $0x7A00  }
0x3b: {  	[tilespmem:s22], [sflag:$0x2] =	stream.indirect_vreg.gather [hbm4b:s17+s4], $0x80, v2, vm0, $0xb8;
	[tilespmem:$0x14200] =	vst v63  }
0x3c: {  	v2 =	vld.msk [tilespmem:$0x80], $0xff;
	_ =	sdelay $0x4  }
0x3d: {  	v3 =	vshll.u32 v2, $0x4  }
0x3e: {  	v2 =	vand.u32 $0x7, v2;
	v3 =	vand.u32 $0xFFFFFF80, v3  }
0x3f: {  	v2 =	vor.u32 v2, v3  }
0x40: {  	v2 =	vperm.xlane v2, v0;
	_ =	sdelay $0x1  }
0x41: {  	v2 =	vadd.s32 v1, v2;
	_ =	sdelay $0x3  }
0x42: {  	s24 =	simm.s32 $0x8200  }
0x43: {  	[tilespmem:s24], [sflag:$0x2] =	stream.indirect_vreg.gather [hbm4b:s1+s4], $0x80, v2, vm0, $0xb8;
	[tilespmem:$0x14200] =	vst v63  }
0x44: {  	s26 =	simm.s32 $0x8A00  }
0x45: {  	[tilespmem:s26], [sflag:$0x2] =	stream.indirect_vreg.gather [hbm4b:s11+s4], $0x80, v2, vm0, $0xb8;
	[tilespmem:$0x14200] =	vst v63  }
0x46: {  	s31 =	simm.s32 $0x9200  }
0x47: {  	[tilespmem:s31], [sflag:$0x2] =	stream.indirect_vreg.gather [hbm4b:s12+s4], $0x80, v2, vm0, $0xb8;
	[tilespmem:$0x14200] =	vst v63  }
0x48: {  	s2 =	simm.s32 $0x9A00  }
0x49: {  	[tilespmem:s2], [sflag:$0x2] =	stream.indirect_vreg.gather [hbm4b:s13+s4], $0x80, v2, vm0, $0xb8;
	[tilespmem:$0x14200] =	vst v63  }
0x4a: {  	s6 =	simm.s32 $0xA200  }
0x4b: {  	[tilespmem:s6], [sflag:$0x2] =	stream.indirect_vreg.gather [hbm4b:s14+s4], $0x80, v2, vm0, $0xb8;
	[tilespmem:$0x14200] =	vst v63  }
0x4c: {  	s7 =	simm.s32 $0xAA00  }
0x4d: {  	[tilespmem:s7], [sflag:$0x2] =	stream.indirect_vreg.gather [hbm4b:s15+s4], $0x80, v2, vm0, $0xb8;
	[tilespmem:$0x14200] =	vst v63  }
0x4e: {  	s8 =	simm.s32 $0xB200  }
0x4f: {  	[tilespmem:s8], [sflag:$0x2] =	stream.indirect_vreg.gather [hbm4b:s16+s4], $0x80, v2, vm0, $0xb8;
	[tilespmem:$0x14200] =	vst v63  }
0x50: {  	s9 =	simm.s32 $0xBA00  }
0x51: {  	[tilespmem:s9], [sflag:$0x2] =	stream.indirect_vreg.gather [hbm4b:s17+s4], $0x80, v2, vm0, $0xb8;
	[tilespmem:$0x14200] =	vst v63  }
0x52: {  	v2 =	vld.msk [tilespmem:$0x100], $0xff;
	_ =	sdelay $0x4  }
0x53: {  	v3 =	vshll.u32 v2, $0x4  }
0x54: {  	v2 =	vand.u32 $0x7, v2;
	v3 =	vand.u32 $0xFFFFFF80, v3  }
0x55: {  	v2 =	vor.u32 v2, v3  }
0x56: {  	v2 =	vperm.xlane v2, v0;
	_ =	sdelay $0x1  }
0x57: {  	v2 =	vadd.s32 v1, v2;
	_ =	sdelay $0x3  }
0x58: {  	s10 =	simm.s32 $0xC200  }
0x59: {  	[tilespmem:s10], [sflag:$0x2] =	stream.indirect_vreg.gather [hbm4b:s1+s4], $0x80, v2, vm0, $0xb8;
	[tilespmem:$0x14200] =	vst v63  }
0x5a: {  	s19 =	simm.s32 $0xCA00  }
0x5b: {  	[tilespmem:s19], [sflag:$0x2] =	stream.indirect_vreg.gather [hbm4b:s11+s4], $0x80, v2, vm0, $0xb8;
	[tilespmem:$0x14200] =	vst v63  }
0x5c: {  	s20 =	simm.s32 $0xD200  }
0x5d: {  	[tilespmem:s20], [sflag:$0x2] =	stream.indirect_vreg.gather [hbm4b:s12+s4], $0x80, v2, vm0, $0xb8;
	[tilespmem:$0x14200] =	vst v63  }
0x5e: {  	s21 =	simm.s32 $0xDA00  }
0x5f: {  	[tilespmem:s21], [sflag:$0x2] =	stream.indirect_vreg.gather [hbm4b:s13+s4], $0x80, v2, vm0, $0xb8;
	[tilespmem:$0x14200] =	vst v63  }
0x60: {  	s22 =	simm.s32 $0xE200  }
0x61: {  	[tilespmem:s22], [sflag:$0x2] =	stream.indirect_vreg.gather [hbm4b:s14+s4], $0x80, v2, vm0, $0xb8;
	[tilespmem:$0x14200] =	vst v63  }
0x62: {  	s24 =	simm.s32 $0xEA00  }
0x63: {  	[tilespmem:s24], [sflag:$0x2] =	stream.indirect_vreg.gather [hbm4b:s15+s4], $0x80, v2, vm0, $0xb8;
	[tilespmem:$0x14200] =	vst v63  }
0x64: {  	s26 =	simm.s32 $0xF200  }
0x65: {  	[tilespmem:s26], [sflag:$0x2] =	stream.indirect_vreg.gather [hbm4b:s16+s4], $0x80, v2, vm0, $0xb8;
	[tilespmem:$0x14200] =	vst v63  }
0x66: {  	s29 =	simm.s32 $0x0;
	s30 =	simm.s32 $0x0;
	s31 =	simm.s32 $0xFA00  }
0x67: {  	[tilespmem:s31], [sflag:$0x2] =	stream.indirect_vreg.gather [hbm4b:s17+s4], $0x80, v2, vm0, $0xb8;
	[tilespmem:$0x14200] =	vst v63  }
.LBB2_2:
0x68: {  	p1 =	seq.s32 s30, $0x0  }
0x69: {  	s0 =	sadd.s32 @!p1 $0xFFFFFFFF, s30  }
0x6a: {  	s0 =	sand.u32 @!p1 $0x3, s0  }
0x6b: {  	s0 =	sadd.s32 @!p1 $0x3, s0  }
0x6c: {  	_ =	swait.ge @!p1 [sflag:s0], $0x4000  }
0x6d: {  	p0 =	sgt.u32 s30, $0x3C;
	[sflag:s0] =	ssyncset.done @!p1 $0x0  }
0x6e: {  	[sflag:s0] =	ssyncadd.s32 @!p1 $0xFFFFC000;
	s0 =	sadd.s32 @!p0 $0x3, s30  }
0x6f: {  	_ =	swait.ge [sflag:s25], $0x4000;
	s2 =	sand.u32 @!p0 $0x3, s0;
	s0 =	sshll.u32 @!p0 s0, $0x1  }
0x70: {  	[sflag:s25] =	ssyncset.done $0x0;
	s0 =	sand.u32 @!p0 $0x78, s0;
	s6 =	sshll.u32 @!p0 s2, $0x7  }
0x71: {  	[sflag:s25] =	ssyncadd.s32 $0xFFFFC000;
	s0 =	sor.u32 @!p0 s0, s6  }
0x72: {  	v2 =	vld.msk @!p0 [tilespmem:s0+$0x0], $0xff;
	_ =	sdelay $0x4  }
0x73: {  	v3 =	vshll.u32 @!p0 v2, $0x4  }
0x74: {  	v4 =	vlaneseq.u32 @!p0;
	v2 =	vand.u32 @!p0 $0x7, v2;
	v3 =	vand.u32 @!p0 $0xFFFFFF80, v3  }
0x75: {  	v2 =	vor.u32 @!p0 v2, v3;
	v3 =	vand.u32 @!p0 $0x7, v4;
	v4 =	vshrl.u32 @!p0 v4, $0x3  }
0x76: {  	v2 =	vperm.xlane @!p0 v2, v3;
	v3 =	vmul.u32 @!p0 $0x8, v4;
	_ =	sdelay $0x1  }
0x77: {  	v2 =	vadd.s32 @!p0 v3, v2;
	_ =	sdelay $0x2  }
0x78: {  	s0 =	sshll.u32 @!p0 s2, $0xE  }
0x79: {  	vm1 =	vmmov @!p0 $0xffff;
	s6 =	simm.s32 @!p0 $0x0;
	s2 =	sadd.s32 @!p0 $0x4200, s0  }
0x7a: {  	[tilespmem:s2], [sflag:$0x2] =	stream.indirect_vreg.gather @!p0 [hbm4b:s1+s6], $0x80, v2, vm1, $0xb8;
	[tilespmem:$0x14200] =	vst v63  }
0x7b: {  	s2 =	sadd.s32 @!p0 $0x4A00, s0  }
0x7c: {  	[tilespmem:s2], [sflag:$0x2] =	stream.indirect_vreg.gather @!p0 [hbm4b:s11+s6], $0x80, v2, vm1, $0xb8;
	[tilespmem:$0x14200] =	vst v63  }
0x7d: {  	s2 =	sadd.s32 @!p0 $0x5200, s0  }
0x7e: {  	[tilespmem:s2], [sflag:$0x2] =	stream.indirect_vreg.gather @!p0 [hbm4b:s12+s6], $0x80, v2, vm1, $0xb8;
	[tilespmem:$0x14200] =	vst v63  }
0x7f: {  	s2 =	sadd.s32 @!p0 $0x5A00, s0  }
0x80: {  	[tilespmem:s2], [sflag:$0x2] =	stream.indirect_vreg.gather @!p0 [hbm4b:s13+s6], $0x80, v2, vm1, $0xb8;
	[tilespmem:$0x14200] =	vst v63  }
0x81: {  	s2 =	sadd.s32 @!p0 $0x6200, s0  }
0x82: {  	[tilespmem:s2], [sflag:$0x2] =	stream.indirect_vreg.gather @!p0 [hbm4b:s14+s6], $0x80, v2, vm1, $0xb8;
	[tilespmem:$0x14200] =	vst v63  }
0x83: {  	s2 =	sadd.s32 @!p0 $0x6A00, s0  }
0x84: {  	[tilespmem:s2], [sflag:$0x2] =	stream.indirect_vreg.gather @!p0 [hbm4b:s15+s6], $0x80, v2, vm1, $0xb8;
	[tilespmem:$0x14200] =	vst v63  }
0x85: {  	s2 =	sadd.s32 @!p0 $0x7200, s0  }
0x86: {  	[tilespmem:s2], [sflag:$0x2] =	stream.indirect_vreg.gather @!p0 [hbm4b:s16+s6], $0x80, v2, vm1, $0xb8;
	[tilespmem:$0x14200] =	vst v63  }
0x87: {  	s31 =	sand.u32 $0x3, s30;
	s0 =	sadd.s32 @!p0 $0x7A00, s0  }
0x88: {  	[tilespmem:s0], [sflag:$0x2] =	stream.indirect_vreg.gather @!p0 [hbm4b:s17+s6], $0x80, v2, vm1, $0xb8;
	[tilespmem:$0x14200] =	vst v63  }
0x89: {  	p0 =	sne.s32 s31, $0x0  }
0x8a: {  	s0 =	simm.s32 @!p0 $0x7  }
0x8b: {  	_ =	swait.ge @!p0 [sflag:s0], $0x4000  }
0x8c: {  	[sflag:s0] =	ssyncset.done @!p0 $0x0  }
0x8d: {  	s22 =	simm.s32 $0x280;
	[sflag:s0] =	ssyncadd.s32 @!p0 $0xFFFFC000  }
0x8e: {  	v2 =	vld [tilespmem:s22+$0x70]  }
0x8f: {  	v3 =	vld [tilespmem:s22+$0xFFFFFF90]  }
0x90: {  	v63 =	vld [tilespmem:s22+$0xFFFFFFA0]  }
0x91: {  	v5 =	vld [tilespmem:s22+$0xFFFFFFB0]  }
0x92: {  	v6 =	vld [tilespmem:s22+$0xFFFFFFC0]  }
0x93: {  	v7 =	vld [tilespmem:s22+$0xFFFFFFE0]  }
0x94: {  	v8 =	vld [tilespmem:s22+$0xFFFFFFF0]  }
0x95: {  	v9 =	vld [tilespmem:s22+$0x0]  }
0x96: {  	v10 =	vld [tilespmem:s22+$0x10]  }
0x97: {  	v11 =	vld [tilespmem:s22+$0x20]  }
0x98: {  	v12 =	vld [tilespmem:s22+$0x30]  }
0x99: {  	v13 =	vld [tilespmem:s22+$0x40]  }
0x9a: {  	s24 =	sshll.u32 s29, $0xE;
	v14 =	vld [tilespmem:s22+$0x50]  }
0x9b: {  	s2 =	sand.u32 $0xC000, s24;
	v15 =	vld [tilespmem:s22+$0x60]  }
0x9c: {  	s10 =	sadd.s32 $0x4670, s2;
	v16 =	vld [tilespmem:s22+$0xFFFFFF80]  }
0x9d: {  	[tilespmem:s10+$0x0] =	vst.add.f32.msk $0xffff, v2  }
0x9e: {  	v2 =	vld [tilespmem:s22+$0xFFFFFFD0]  }
0x9f: {  	[tilespmem:s10+$0xFFFFFBA0] =	vst.add.f32.msk $0xffff, v3  }
0xa0: {  	[tilespmem:s10+$0xFFFFFBB0] =	vst.add.f32.msk $0xffff, v63  }
0xa1: {  	[tilespmem:s10+$0xFFFFFBC0] =	vst.add.f32.msk $0xffff, v5  }
0xa2: {  	[tilespmem:s10+$0xFFFFFBD0] =	vst.add.f32.msk $0xffff, v6  }
0xa3: {  	[tilespmem:s10+$0xFFFFFB90] =	vst.add.f32.msk $0xffff, v16  }
0xa4: {  	[tilespmem:s10+$0xFFFFFBF0] =	vst.add.f32.msk $0xffff, v7  }
0xa5: {  	[tilespmem:s10+$0xFFFFFC00] =	vst.add.f32.msk $0xffff, v8  }
0xa6: {  	[tilespmem:s10+$0xFFFFFF90] =	vst.add.f32.msk $0xffff, v9  }
0xa7: {  	[tilespmem:s10+$0xFFFFFFA0] =	vst.add.f32.msk $0xffff, v10  }
0xa8: {  	s19 =	sshll.u32 s31, $0xE;
	[tilespmem:s10+$0xFFFFFFB0] =	vst.add.f32.msk $0xffff, v11  }
0xa9: {  	s26 =	sshll.u32 s30, $0x9;
	s20 =	sadd.s32 $0x4200, s19;
	[tilespmem:s10+$0xFFFFFFC0] =	vst.add.f32.msk $0xffff, v12  }
0xaa: {  	s19 =	simm.s32 $0xAF0;
	s21 =	sadd.s32 $0x4970, s2;
	s24 =	sadd.s32 $0x4870, s2;
	[tilespmem:s10+$0xFFFFFFD0] =	vst.add.f32.msk $0xffff, v13  }
0xab: {  	s7 =	sadd.s32 $0x47F0, s2;
	s8 =	sadd.s32 $0x4770, s2;
	s9 =	sadd.s32 $0x46F0, s2;
	[tilespmem:s10+$0xFFFFFFE0] =	vst.add.f32.msk $0xffff, v14  }
0xac: {  	s6 =	sand.u32 $0x7800, s26;
	s26 =	simm.s32 $0x380;
	s0 =	sadd.s32 $0x49F0, s2;
	[tilespmem:s10+$0xFFFFFFF0] =	vst.add.f32.msk $0xffff, v15  }
0xad: {  	s22 =	sadd.s32 $0x48F0, s2;
	s2 =	sor.u32 s5, s6;
	s6 =	simm.s32 $0x0;
	[tilespmem:s10+$0xFFFFFBE0] =	vst.add.f32.msk $0xffff, v2  }
.LBB2_3:
0xae: {  	v2 =	vld [tilespmem:s26+$0x70];
	s6 =	sadd.s32 $0x10, s6  }
0xaf: {  	v3 =	vld [tilespmem:s26+$0xFFFFFF90];
	p0 =	slt.u32 s6, $0x70  }
0xb0: {  	v4 =	vld [tilespmem:s26+$0xFFFFFFA0]  }
0xb1: {  	v5 =	vld [tilespmem:s26+$0xFFFFFFB0]  }
0xb2: {  	s10 =	sadd.s32 $0x800, s10;
	v6 =	vld [tilespmem:s26+$0xFFFFFFC0]  }
0xb3: {  	[tilespmem:s10+$0x0] =	vst.add.f32.msk $0xffff, v2  }
0xb4: {  	v2 =	vld [tilespmem:s26+$0xFFFFFFD0]  }
0xb5: {  	v7 =	vld [tilespmem:s26+$0xFFFFFFE0]  }
0xb6: {  	v8 =	vld [tilespmem:s26+$0xFFFFFFF0]  }
0xb7: {  	v9 =	vld [tilespmem:s26+$0x0]  }
0xb8: {  	v10 =	vld [tilespmem:s26+$0x10]  }
0xb9: {  	v11 =	vld [tilespmem:s26+$0x20]  }
0xba: {  	v12 =	vld [tilespmem:s26+$0x30]  }
0xbb: {  	v13 =	vld [tilespmem:s26+$0x40]  }
0xbc: {  	v14 =	vld [tilespmem:s26+$0x50]  }
0xbd: {  	v15 =	vld [tilespmem:s26+$0x60]  }
0xbe: {  	v16 =	vld [tilespmem:s26+$0xFFFFFF80]  }
0xbf: {  	[tilespmem:s10+$0xFFFFFBA0] =	vst.add.f32.msk $0xffff, v3  }
0xc0: {  	[tilespmem:s10+$0xFFFFFBB0] =	vst.add.f32.msk $0xffff, v4  }
0xc1: {  	[tilespmem:s10+$0xFFFFFBC0] =	vst.add.f32.msk $0xffff, v5  }
0xc2: {  	[tilespmem:s10+$0xFFFFFBD0] =	vst.add.f32.msk $0xffff, v6  }
0xc3: {  	[tilespmem:s10+$0xFFFFFB90] =	vst.add.f32.msk $0xffff, v16  }
0xc4: {  	[tilespmem:s10+$0xFFFFFBE0] =	vst.add.f32.msk $0xffff, v2  }
0xc5: {  	[tilespmem:s10+$0xFFFFFBF0] =	vst.add.f32.msk $0xffff, v7  }
0xc6: {  	[tilespmem:s10+$0xFFFFFC00] =	vst.add.f32.msk $0xffff, v8  }
0xc7: {  	[tilespmem:s10+$0xFFFFFF90] =	vst.add.f32.msk $0xffff, v9  }
0xc8: {  	[tilespmem:s10+$0xFFFFFFA0] =	vst.add.f32.msk $0xffff, v10  }
.Ltmp0:
0xc9: {  	[tilespmem:s10+$0xFFFFFFB0] =	vst.add.f32.msk $0xffff, v11;
	(pc) =	sbr.rel @p0 .LBB2_3-.Ltmp0, $4  }
0xca: {  	[tilespmem:s10+$0xFFFFFFC0] =	vst.add.f32.msk $0xffff, v12  }
0xcb: {  	[tilespmem:s10+$0xFFFFFFD0] =	vst.add.f32.msk $0xffff, v13  }
0xcc: {  	[tilespmem:s10+$0xFFFFFFE0] =	vst.add.f32.msk $0xffff, v14  }
0xcd: {  	s26 =	sadd.s32 $0x100, s26;
	[tilespmem:s10+$0xFFFFFFF0] =	vst.add.f32.msk $0xffff, v15  }
0xce: {  	v2 =	vld [tilespmem:s19+$0x0]  }
0xcf: {  	v3 =	vld [tilespmem:s19+$0xFFFFFF20]  }
0xd0: {  	v4 =	vld [tilespmem:s19+$0xFFFFFF30]  }
0xd1: {  	v5 =	vld [tilespmem:s19+$0xFFFFFF40]  }
0xd2: {  	v6 =	vld [tilespmem:s19+$0xFFFFFF50]  }
0xd3: {  	v7 =	vld [tilespmem:s19+$0xFFFFFF70]  }
0xd4: {  	v8 =	vld [tilespmem:s19+$0xFFFFFF80]  }
0xd5: {  	v9 =	vld [tilespmem:s19+$0xFFFFFF90]  }
0xd6: {  	v10 =	vld [tilespmem:s19+$0xFFFFFFA0]  }
0xd7: {  	v11 =	vld [tilespmem:s19+$0xFFFFFFB0]  }
0xd8: {  	v12 =	vld [tilespmem:s19+$0xFFFFFFC0]  }
0xd9: {  	v13 =	vld [tilespmem:s19+$0xFFFFFFD0]  }
0xda: {  	v14 =	vld [tilespmem:s19+$0xFFFFFFE0]  }
0xdb: {  	v15 =	vld [tilespmem:s19+$0xFFFFFFF0]  }
0xdc: {  	v16 =	vld [tilespmem:s19+$0xFFFFFF10]  }
0xdd: {  	[tilespmem:s9+$0x0] =	vst.add.f32.msk $0xffff, v2  }
0xde: {  	v2 =	vld [tilespmem:s19+$0xFFFFFF60]  }
0xdf: {  	[tilespmem:s9+$0xFFFFFBA0] =	vst.add.f32.msk $0xffff, v3  }
0xe0: {  	[tilespmem:s9+$0xFFFFFBB0] =	vst.add.f32.msk $0xffff, v4  }
0xe1: {  	[tilespmem:s9+$0xFFFFFBC0] =	vst.add.f32.msk $0xffff, v5  }
0xe2: {  	[tilespmem:s9+$0xFFFFFBD0] =	vst.add.f32.msk $0xffff, v6  }
0xe3: {  	[tilespmem:s9+$0xFFFFFB90] =	vst.add.f32.msk $0xffff, v16  }
0xe4: {  	[tilespmem:s9+$0xFFFFFBF0] =	vst.add.f32.msk $0xffff, v7  }
0xe5: {  	[tilespmem:s9+$0xFFFFFC00] =	vst.add.f32.msk $0xffff, v8  }
0xe6: {  	[tilespmem:s9+$0xFFFFFF90] =	vst.add.f32.msk $0xffff, v9  }
0xe7: {  	[tilespmem:s9+$0xFFFFFFA0] =	vst.add.f32.msk $0xffff, v10  }
0xe8: {  	[tilespmem:s9+$0xFFFFFFB0] =	vst.add.f32.msk $0xffff, v11  }
0xe9: {  	[tilespmem:s9+$0xFFFFFFC0] =	vst.add.f32.msk $0xffff, v12  }
0xea: {  	[tilespmem:s9+$0xFFFFFFD0] =	vst.add.f32.msk $0xffff, v13  }
0xeb: {  	[tilespmem:s9+$0xFFFFFFE0] =	vst.add.f32.msk $0xffff, v14  }
0xec: {  	[tilespmem:s9+$0xFFFFFFF0] =	vst.add.f32.msk $0xffff, v15  }
0xed: {  	s6 =	simm.s32 $0x0;
	s10 =	simm.s32 $0x12F0;
	s19 =	simm.s32 $0xBF0;
	[tilespmem:s9+$0xFFFFFBE0] =	vst.add.f32.msk $0xffff, v2  }
.LBB2_5:
0xee: {  	v2 =	vld [tilespmem:s19+$0x0];
	s6 =	sadd.s32 $0x10, s6  }
0xef: {  	v3 =	vld [tilespmem:s19+$0xFFFFFF20];
	p0 =	slt.u32 s6, $0x70  }
0xf0: {  	v4 =	vld [tilespmem:s19+$0xFFFFFF30]  }
0xf1: {  	v5 =	vld [tilespmem:s19+$0xFFFFFF40]  }
0xf2: {  	s9 =	sadd.s32 $0x800, s9;
	v6 =	vld [tilespmem:s19+$0xFFFFFF50]  }
0xf3: {  	[tilespmem:s9+$0x0] =	vst.add.f32.msk $0xffff, v2  }
0xf4: {  	v2 =	vld [tilespmem:s19+$0xFFFFFF60]  }
0xf5: {  	v7 =	vld [tilespmem:s19+$0xFFFFFF70]  }
0xf6: {  	v8 =	vld [tilespmem:s19+$0xFFFFFF80]  }
0xf7: {  	v9 =	vld [tilespmem:s19+$0xFFFFFF90]  }
0xf8: {  	v10 =	vld [tilespmem:s19+$0xFFFFFFA0]  }
0xf9: {  	v11 =	vld [tilespmem:s19+$0xFFFFFFB0]  }
0xfa: {  	v12 =	vld [tilespmem:s19+$0xFFFFFFC0]  }
0xfb: {  	v13 =	vld [tilespmem:s19+$0xFFFFFFD0]  }
0xfc: {  	v14 =	vld [tilespmem:s19+$0xFFFFFFE0]  }
0xfd: {  	v15 =	vld [tilespmem:s19+$0xFFFFFFF0]  }
0xfe: {  	v16 =	vld [tilespmem:s19+$0xFFFFFF10]  }
0xff: {  	[tilespmem:s9+$0xFFFFFBA0] =	vst.add.f32.msk $0xffff, v3  }
0x100: {  	[tilespmem:s9+$0xFFFFFBB0] =	vst.add.f32.msk $0xffff, v4  }
0x101: {  	[tilespmem:s9+$0xFFFFFBC0] =	vst.add.f32.msk $0xffff, v5  }
0x102: {  	[tilespmem:s9+$0xFFFFFBD0] =	vst.add.f32.msk $0xffff, v6  }
0x103: {  	[tilespmem:s9+$0xFFFFFB90] =	vst.add.f32.msk $0xffff, v16  }
0x104: {  	[tilespmem:s9+$0xFFFFFBE0] =	vst.add.f32.msk $0xffff, v2  }
0x105: {  	[tilespmem:s9+$0xFFFFFBF0] =	vst.add.f32.msk $0xffff, v7  }
0x106: {  	[tilespmem:s9+$0xFFFFFC00] =	vst.add.f32.msk $0xffff, v8  }
0x107: {  	[tilespmem:s9+$0xFFFFFF90] =	vst.add.f32.msk $0xffff, v9  }
0x108: {  	[tilespmem:s9+$0xFFFFFFA0] =	vst.add.f32.msk $0xffff, v10  }
.Ltmp1:
0x109: {  	[tilespmem:s9+$0xFFFFFFB0] =	vst.add.f32.msk $0xffff, v11;
	(pc) =	sbr.rel @p0 .LBB2_5-.Ltmp1, $4  }
0x10a: {  	[tilespmem:s9+$0xFFFFFFC0] =	vst.add.f32.msk $0xffff, v12  }
0x10b: {  	[tilespmem:s9+$0xFFFFFFD0] =	vst.add.f32.msk $0xffff, v13  }
0x10c: {  	[tilespmem:s9+$0xFFFFFFE0] =	vst.add.f32.msk $0xffff, v14  }
0x10d: {  	s19 =	sadd.s32 $0x100, s19;
	[tilespmem:s9+$0xFFFFFFF0] =	vst.add.f32.msk $0xffff, v15  }
0x10e: {  	v2 =	vld [tilespmem:s10+$0x0]  }
0x10f: {  	v3 =	vld [tilespmem:s10+$0xFFFFFF20]  }
0x110: {  	v4 =	vld [tilespmem:s10+$0xFFFFFF30]  }
0x111: {  	v5 =	vld [tilespmem:s10+$0xFFFFFF40]  }
0x112: {  	v6 =	vld [tilespmem:s10+$0xFFFFFF50]  }
0x113: {  	v7 =	vld [tilespmem:s10+$0xFFFFFF70]  }
0x114: {  	v8 =	vld [tilespmem:s10+$0xFFFFFF80]  }
0x115: {  	v9 =	vld [tilespmem:s10+$0xFFFFFF90]  }
0x116: {  	v10 =	vld [tilespmem:s10+$0xFFFFFFA0]  }
0x117: {  	v11 =	vld [tilespmem:s10+$0xFFFFFFB0]  }
0x118: {  	v12 =	vld [tilespmem:s10+$0xFFFFFFC0]  }
0x119: {  	v13 =	vld [tilespmem:s10+$0xFFFFFFD0]  }
0x11a: {  	v14 =	vld [tilespmem:s10+$0xFFFFFFE0]  }
0x11b: {  	v15 =	vld [tilespmem:s10+$0xFFFFFFF0]  }
0x11c: {  	v16 =	vld [tilespmem:s10+$0xFFFFFF10]  }
0x11d: {  	[tilespmem:s8+$0x0] =	vst.add.f32.msk $0xffff, v2  }
0x11e: {  	v2 =	vld [tilespmem:s10+$0xFFFFFF60]  }
0x11f: {  	[tilespmem:s8+$0xFFFFFBA0] =	vst.add.f32.msk $0xffff, v3  }
0x120: {  	[tilespmem:s8+$0xFFFFFBB0] =	vst.add.f32.msk $0xffff, v4  }
0x121: {  	[tilespmem:s8+$0xFFFFFBC0] =	vst.add.f32.msk $0xffff, v5  }
0x122: {  	[tilespmem:s8+$0xFFFFFBD0] =	vst.add.f32.msk $0xffff, v6  }
0x123: {  	[tilespmem:s8+$0xFFFFFB90] =	vst.add.f32.msk $0xffff, v16  }
0x124: {  	[tilespmem:s8+$0xFFFFFBF0] =	vst.add.f32.msk $0xffff, v7  }
0x125: {  	[tilespmem:s8+$0xFFFFFC00] =	vst.add.f32.msk $0xffff, v8  }
0x126: {  	[tilespmem:s8+$0xFFFFFF90] =	vst.add.f32.msk $0xffff, v9  }
0x127: {  	[tilespmem:s8+$0xFFFFFFA0] =	vst.add.f32.msk $0xffff, v10  }
0x128: {  	[tilespmem:s8+$0xFFFFFFB0] =	vst.add.f32.msk $0xffff, v11  }
0x129: {  	[tilespmem:s8+$0xFFFFFFC0] =	vst.add.f32.msk $0xffff, v12  }
0x12a: {  	[tilespmem:s8+$0xFFFFFFD0] =	vst.add.f32.msk $0xffff, v13  }
0x12b: {  	[tilespmem:s8+$0xFFFFFFE0] =	vst.add.f32.msk $0xffff, v14  }
0x12c: {  	[tilespmem:s8+$0xFFFFFFF0] =	vst.add.f32.msk $0xffff, v15  }
0x12d: {  	s6 =	simm.s32 $0x0;
	s9 =	simm.s32 $0x1AF0;
	s10 =	simm.s32 $0x13F0;
	[tilespmem:s8+$0xFFFFFBE0] =	vst.add.f32.msk $0xffff, v2  }
.LBB2_7:
0x12e: {  	v2 =	vld [tilespmem:s10+$0x0];
	s6 =	sadd.s32 $0x10, s6  }
0x12f: {  	v3 =	vld [tilespmem:s10+$0xFFFFFF20];
	p0 =	slt.u32 s6, $0x70  }
0x130: {  	v4 =	vld [tilespmem:s10+$0xFFFFFF30]  }
0x131: {  	v5 =	vld [tilespmem:s10+$0xFFFFFF40]  }
0x132: {  	s8 =	sadd.s32 $0x800, s8;
	v6 =	vld [tilespmem:s10+$0xFFFFFF50]  }
0x133: {  	[tilespmem:s8+$0x0] =	vst.add.f32.msk $0xffff, v2  }
0x134: {  	v2 =	vld [tilespmem:s10+$0xFFFFFF60]  }
0x135: {  	v7 =	vld [tilespmem:s10+$0xFFFFFF70]  }
0x136: {  	v8 =	vld [tilespmem:s10+$0xFFFFFF80]  }
0x137: {  	v9 =	vld [tilespmem:s10+$0xFFFFFF90]  }
0x138: {  	v10 =	vld [tilespmem:s10+$0xFFFFFFA0]  }
0x139: {  	v11 =	vld [tilespmem:s10+$0xFFFFFFB0]  }
0x13a: {  	v12 =	vld [tilespmem:s10+$0xFFFFFFC0]  }
0x13b: {  	v13 =	vld [tilespmem:s10+$0xFFFFFFD0]  }
0x13c: {  	v14 =	vld [tilespmem:s10+$0xFFFFFFE0]  }
0x13d: {  	v15 =	vld [tilespmem:s10+$0xFFFFFFF0]  }
0x13e: {  	v16 =	vld [tilespmem:s10+$0xFFFFFF10]  }
0x13f: {  	[tilespmem:s8+$0xFFFFFBA0] =	vst.add.f32.msk $0xffff, v3  }
0x140: {  	[tilespmem:s8+$0xFFFFFBB0] =	vst.add.f32.msk $0xffff, v4  }
0x141: {  	[tilespmem:s8+$0xFFFFFBC0] =	vst.add.f32.msk $0xffff, v5  }
0x142: {  	[tilespmem:s8+$0xFFFFFBD0] =	vst.add.f32.msk $0xffff, v6  }
0x143: {  	[tilespmem:s8+$0xFFFFFB90] =	vst.add.f32.msk $0xffff, v16  }
0x144: {  	[tilespmem:s8+$0xFFFFFBE0] =	vst.add.f32.msk $0xffff, v2  }
0x145: {  	[tilespmem:s8+$0xFFFFFBF0] =	vst.add.f32.msk $0xffff, v7  }
0x146: {  	[tilespmem:s8+$0xFFFFFC00] =	vst.add.f32.msk $0xffff, v8  }
0x147: {  	[tilespmem:s8+$0xFFFFFF90] =	vst.add.f32.msk $0xffff, v9  }
0x148: {  	[tilespmem:s8+$0xFFFFFFA0] =	vst.add.f32.msk $0xffff, v10  }
.Ltmp2:
0x149: {  	[tilespmem:s8+$0xFFFFFFB0] =	vst.add.f32.msk $0xffff, v11;
	(pc) =	sbr.rel @p0 .LBB2_7-.Ltmp2, $4  }
0x14a: {  	[tilespmem:s8+$0xFFFFFFC0] =	vst.add.f32.msk $0xffff, v12  }
0x14b: {  	[tilespmem:s8+$0xFFFFFFD0] =	vst.add.f32.msk $0xffff, v13  }
0x14c: {  	[tilespmem:s8+$0xFFFFFFE0] =	vst.add.f32.msk $0xffff, v14  }
0x14d: {  	s10 =	sadd.s32 $0x100, s10;
	[tilespmem:s8+$0xFFFFFFF0] =	vst.add.f32.msk $0xffff, v15  }
0x14e: {  	v2 =	vld [tilespmem:s9+$0x0]  }
0x14f: {  	v3 =	vld [tilespmem:s9+$0xFFFFFF20]  }
0x150: {  	v4 =	vld [tilespmem:s9+$0xFFFFFF30]  }
0x151: {  	v5 =	vld [tilespmem:s9+$0xFFFFFF40]  }
0x152: {  	v6 =	vld [tilespmem:s9+$0xFFFFFF50]  }
0x153: {  	v7 =	vld [tilespmem:s9+$0xFFFFFF70]  }
0x154: {  	v8 =	vld [tilespmem:s9+$0xFFFFFF80]  }
0x155: {  	v9 =	vld [tilespmem:s9+$0xFFFFFF90]  }
0x156: {  	v10 =	vld [tilespmem:s9+$0xFFFFFFA0]  }
0x157: {  	v11 =	vld [tilespmem:s9+$0xFFFFFFB0]  }
0x158: {  	v12 =	vld [tilespmem:s9+$0xFFFFFFC0]  }
0x159: {  	v13 =	vld [tilespmem:s9+$0xFFFFFFD0]  }
0x15a: {  	v14 =	vld [tilespmem:s9+$0xFFFFFFE0]  }
0x15b: {  	v15 =	vld [tilespmem:s9+$0xFFFFFFF0]  }
0x15c: {  	v16 =	vld [tilespmem:s9+$0xFFFFFF10]  }
0x15d: {  	[tilespmem:s7+$0x0] =	vst.add.f32.msk $0xffff, v2  }
0x15e: {  	v2 =	vld [tilespmem:s9+$0xFFFFFF60]  }
0x15f: {  	[tilespmem:s7+$0xFFFFFBA0] =	vst.add.f32.msk $0xffff, v3  }
0x160: {  	[tilespmem:s7+$0xFFFFFBB0] =	vst.add.f32.msk $0xffff, v4  }
0x161: {  	[tilespmem:s7+$0xFFFFFBC0] =	vst.add.f32.msk $0xffff, v5  }
0x162: {  	[tilespmem:s7+$0xFFFFFBD0] =	vst.add.f32.msk $0xffff, v6  }
0x163: {  	[tilespmem:s7+$0xFFFFFB90] =	vst.add.f32.msk $0xffff, v16  }
0x164: {  	[tilespmem:s7+$0xFFFFFBF0] =	vst.add.f32.msk $0xffff, v7  }
0x165: {  	[tilespmem:s7+$0xFFFFFC00] =	vst.add.f32.msk $0xffff, v8  }
0x166: {  	[tilespmem:s7+$0xFFFFFF90] =	vst.add.f32.msk $0xffff, v9  }
0x167: {  	[tilespmem:s7+$0xFFFFFFA0] =	vst.add.f32.msk $0xffff, v10  }
0x168: {  	[tilespmem:s7+$0xFFFFFFB0] =	vst.add.f32.msk $0xffff, v11  }
0x169: {  	[tilespmem:s7+$0xFFFFFFC0] =	vst.add.f32.msk $0xffff, v12  }
0x16a: {  	[tilespmem:s7+$0xFFFFFFD0] =	vst.add.f32.msk $0xffff, v13  }
0x16b: {  	[tilespmem:s7+$0xFFFFFFE0] =	vst.add.f32.msk $0xffff, v14  }
0x16c: {  	[tilespmem:s7+$0xFFFFFFF0] =	vst.add.f32.msk $0xffff, v15  }
0x16d: {  	s6 =	simm.s32 $0x0;
	s8 =	simm.s32 $0x22F0;
	s9 =	simm.s32 $0x1BF0;
	[tilespmem:s7+$0xFFFFFBE0] =	vst.add.f32.msk $0xffff, v2  }
.LBB2_9:
0x16e: {  	v2 =	vld [tilespmem:s9+$0x0];
	s6 =	sadd.s32 $0x10, s6  }
0x16f: {  	v3 =	vld [tilespmem:s9+$0xFFFFFF20];
	p0 =	slt.u32 s6, $0x70  }
0x170: {  	v4 =	vld [tilespmem:s9+$0xFFFFFF30]  }
0x171: {  	v5 =	vld [tilespmem:s9+$0xFFFFFF40]  }
0x172: {  	s7 =	sadd.s32 $0x800, s7;
	v6 =	vld [tilespmem:s9+$0xFFFFFF50]  }
0x173: {  	[tilespmem:s7+$0x0] =	vst.add.f32.msk $0xffff, v2  }
0x174: {  	v2 =	vld [tilespmem:s9+$0xFFFFFF60]  }
0x175: {  	v7 =	vld [tilespmem:s9+$0xFFFFFF70]  }
0x176: {  	v8 =	vld [tilespmem:s9+$0xFFFFFF80]  }
0x177: {  	v9 =	vld [tilespmem:s9+$0xFFFFFF90]  }
0x178: {  	v10 =	vld [tilespmem:s9+$0xFFFFFFA0]  }
0x179: {  	v11 =	vld [tilespmem:s9+$0xFFFFFFB0]  }
0x17a: {  	v12 =	vld [tilespmem:s9+$0xFFFFFFC0]  }
0x17b: {  	v13 =	vld [tilespmem:s9+$0xFFFFFFD0]  }
0x17c: {  	v14 =	vld [tilespmem:s9+$0xFFFFFFE0]  }
0x17d: {  	v15 =	vld [tilespmem:s9+$0xFFFFFFF0]  }
0x17e: {  	v16 =	vld [tilespmem:s9+$0xFFFFFF10]  }
0x17f: {  	[tilespmem:s7+$0xFFFFFBA0] =	vst.add.f32.msk $0xffff, v3  }
0x180: {  	[tilespmem:s7+$0xFFFFFBB0] =	vst.add.f32.msk $0xffff, v4  }
0x181: {  	[tilespmem:s7+$0xFFFFFBC0] =	vst.add.f32.msk $0xffff, v5  }
0x182: {  	[tilespmem:s7+$0xFFFFFBD0] =	vst.add.f32.msk $0xffff, v6  }
0x183: {  	[tilespmem:s7+$0xFFFFFB90] =	vst.add.f32.msk $0xffff, v16  }
0x184: {  	[tilespmem:s7+$0xFFFFFBE0] =	vst.add.f32.msk $0xffff, v2  }
0x185: {  	[tilespmem:s7+$0xFFFFFBF0] =	vst.add.f32.msk $0xffff, v7  }
0x186: {  	[tilespmem:s7+$0xFFFFFC00] =	vst.add.f32.msk $0xffff, v8  }
0x187: {  	[tilespmem:s7+$0xFFFFFF90] =	vst.add.f32.msk $0xffff, v9  }
0x188: {  	[tilespmem:s7+$0xFFFFFFA0] =	vst.add.f32.msk $0xffff, v10  }
.Ltmp3:
0x189: {  	[tilespmem:s7+$0xFFFFFFB0] =	vst.add.f32.msk $0xffff, v11;
	(pc) =	sbr.rel @p0 .LBB2_9-.Ltmp3, $4  }
0x18a: {  	[tilespmem:s7+$0xFFFFFFC0] =	vst.add.f32.msk $0xffff, v12  }
0x18b: {  	[tilespmem:s7+$0xFFFFFFD0] =	vst.add.f32.msk $0xffff, v13  }
0x18c: {  	[tilespmem:s7+$0xFFFFFFE0] =	vst.add.f32.msk $0xffff, v14  }
0x18d: {  	s9 =	sadd.s32 $0x100, s9;
	[tilespmem:s7+$0xFFFFFFF0] =	vst.add.f32.msk $0xffff, v15  }
0x18e: {  	v2 =	vld [tilespmem:s8+$0x0]  }
0x18f: {  	v3 =	vld [tilespmem:s8+$0xFFFFFF20]  }
0x190: {  	v4 =	vld [tilespmem:s8+$0xFFFFFF30]  }
0x191: {  	v5 =	vld [tilespmem:s8+$0xFFFFFF40]  }
0x192: {  	v6 =	vld [tilespmem:s8+$0xFFFFFF50]  }
0x193: {  	v7 =	vld [tilespmem:s8+$0xFFFFFF70]  }
0x194: {  	v8 =	vld [tilespmem:s8+$0xFFFFFF80]  }
0x195: {  	v9 =	vld [tilespmem:s8+$0xFFFFFF90]  }
0x196: {  	v10 =	vld [tilespmem:s8+$0xFFFFFFA0]  }
0x197: {  	v11 =	vld [tilespmem:s8+$0xFFFFFFB0]  }
0x198: {  	v12 =	vld [tilespmem:s8+$0xFFFFFFC0]  }
0x199: {  	v13 =	vld [tilespmem:s8+$0xFFFFFFD0]  }
0x19a: {  	v14 =	vld [tilespmem:s8+$0xFFFFFFE0]  }
0x19b: {  	v15 =	vld [tilespmem:s8+$0xFFFFFFF0]  }
0x19c: {  	v16 =	vld [tilespmem:s8+$0xFFFFFF10]  }
0x19d: {  	[tilespmem:s24+$0x0] =	vst.add.f32.msk $0xffff, v2  }
0x19e: {  	v2 =	vld [tilespmem:s8+$0xFFFFFF60]  }
0x19f: {  	[tilespmem:s24+$0xFFFFFBA0] =	vst.add.f32.msk $0xffff, v3  }
0x1a0: {  	[tilespmem:s24+$0xFFFFFBB0] =	vst.add.f32.msk $0xffff, v4  }
0x1a1: {  	[tilespmem:s24+$0xFFFFFBC0] =	vst.add.f32.msk $0xffff, v5  }
0x1a2: {  	[tilespmem:s24+$0xFFFFFBD0] =	vst.add.f32.msk $0xffff, v6  }
0x1a3: {  	[tilespmem:s24+$0xFFFFFB90] =	vst.add.f32.msk $0xffff, v16  }
0x1a4: {  	[tilespmem:s24+$0xFFFFFBF0] =	vst.add.f32.msk $0xffff, v7  }
0x1a5: {  	[tilespmem:s24+$0xFFFFFC00] =	vst.add.f32.msk $0xffff, v8  }
0x1a6: {  	[tilespmem:s24+$0xFFFFFF90] =	vst.add.f32.msk $0xffff, v9  }
0x1a7: {  	[tilespmem:s24+$0xFFFFFFA0] =	vst.add.f32.msk $0xffff, v10  }
0x1a8: {  	[tilespmem:s24+$0xFFFFFFB0] =	vst.add.f32.msk $0xffff, v11  }
0x1a9: {  	[tilespmem:s24+$0xFFFFFFC0] =	vst.add.f32.msk $0xffff, v12  }
0x1aa: {  	[tilespmem:s24+$0xFFFFFFD0] =	vst.add.f32.msk $0xffff, v13  }
0x1ab: {  	[tilespmem:s24+$0xFFFFFFE0] =	vst.add.f32.msk $0xffff, v14  }
0x1ac: {  	[tilespmem:s24+$0xFFFFFFF0] =	vst.add.f32.msk $0xffff, v15  }
0x1ad: {  	s6 =	simm.s32 $0x0;
	s7 =	simm.s32 $0x2AF0;
	s8 =	simm.s32 $0x23F0;
	[tilespmem:s24+$0xFFFFFBE0] =	vst.add.f32.msk $0xffff, v2  }
.LBB2_11:
0x1ae: {  	v2 =	vld [tilespmem:s8+$0x0];
	s6 =	sadd.s32 $0x10, s6  }
0x1af: {  	v3 =	vld [tilespmem:s8+$0xFFFFFF20];
	p0 =	slt.u32 s6, $0x70  }
0x1b0: {  	v4 =	vld [tilespmem:s8+$0xFFFFFF30]  }
0x1b1: {  	v5 =	vld [tilespmem:s8+$0xFFFFFF40]  }
0x1b2: {  	s24 =	sadd.s32 $0x800, s24;
	v6 =	vld [tilespmem:s8+$0xFFFFFF50]  }
0x1b3: {  	[tilespmem:s24+$0x0] =	vst.add.f32.msk $0xffff, v2  }
0x1b4: {  	v2 =	vld [tilespmem:s8+$0xFFFFFF60]  }
0x1b5: {  	v7 =	vld [tilespmem:s8+$0xFFFFFF70]  }
0x1b6: {  	v8 =	vld [tilespmem:s8+$0xFFFFFF80]  }
0x1b7: {  	v9 =	vld [tilespmem:s8+$0xFFFFFF90]  }
0x1b8: {  	v10 =	vld [tilespmem:s8+$0xFFFFFFA0]  }
0x1b9: {  	v11 =	vld [tilespmem:s8+$0xFFFFFFB0]  }
0x1ba: {  	v12 =	vld [tilespmem:s8+$0xFFFFFFC0]  }
0x1bb: {  	v13 =	vld [tilespmem:s8+$0xFFFFFFD0]  }
0x1bc: {  	v14 =	vld [tilespmem:s8+$0xFFFFFFE0]  }
0x1bd: {  	v15 =	vld [tilespmem:s8+$0xFFFFFFF0]  }
0x1be: {  	v16 =	vld [tilespmem:s8+$0xFFFFFF10]  }
0x1bf: {  	[tilespmem:s24+$0xFFFFFBA0] =	vst.add.f32.msk $0xffff, v3  }
0x1c0: {  	[tilespmem:s24+$0xFFFFFBB0] =	vst.add.f32.msk $0xffff, v4  }
0x1c1: {  	[tilespmem:s24+$0xFFFFFBC0] =	vst.add.f32.msk $0xffff, v5  }
0x1c2: {  	[tilespmem:s24+$0xFFFFFBD0] =	vst.add.f32.msk $0xffff, v6  }
0x1c3: {  	[tilespmem:s24+$0xFFFFFB90] =	vst.add.f32.msk $0xffff, v16  }
0x1c4: {  	[tilespmem:s24+$0xFFFFFBE0] =	vst.add.f32.msk $0xffff, v2  }
0x1c5: {  	[tilespmem:s24+$0xFFFFFBF0] =	vst.add.f32.msk $0xffff, v7  }
0x1c6: {  	[tilespmem:s24+$0xFFFFFC00] =	vst.add.f32.msk $0xffff, v8  }
0x1c7: {  	[tilespmem:s24+$0xFFFFFF90] =	vst.add.f32.msk $0xffff, v9  }
0x1c8: {  	[tilespmem:s24+$0xFFFFFFA0] =	vst.add.f32.msk $0xffff, v10  }
.Ltmp4:
0x1c9: {  	[tilespmem:s24+$0xFFFFFFB0] =	vst.add.f32.msk $0xffff, v11;
	(pc) =	sbr.rel @p0 .LBB2_11-.Ltmp4, $4  }
0x1ca: {  	[tilespmem:s24+$0xFFFFFFC0] =	vst.add.f32.msk $0xffff, v12  }
0x1cb: {  	[tilespmem:s24+$0xFFFFFFD0] =	vst.add.f32.msk $0xffff, v13  }
0x1cc: {  	[tilespmem:s24+$0xFFFFFFE0] =	vst.add.f32.msk $0xffff, v14  }
0x1cd: {  	s8 =	sadd.s32 $0x100, s8;
	[tilespmem:s24+$0xFFFFFFF0] =	vst.add.f32.msk $0xffff, v15  }
0x1ce: {  	v2 =	vld [tilespmem:s7+$0x0]  }
0x1cf: {  	v3 =	vld [tilespmem:s7+$0xFFFFFF20]  }
0x1d0: {  	v4 =	vld [tilespmem:s7+$0xFFFFFF30]  }
0x1d1: {  	v5 =	vld [tilespmem:s7+$0xFFFFFF40]  }
0x1d2: {  	v6 =	vld [tilespmem:s7+$0xFFFFFF50]  }
0x1d3: {  	v7 =	vld [tilespmem:s7+$0xFFFFFF70]  }
0x1d4: {  	v8 =	vld [tilespmem:s7+$0xFFFFFF80]  }
0x1d5: {  	v9 =	vld [tilespmem:s7+$0xFFFFFF90]  }
0x1d6: {  	v10 =	vld [tilespmem:s7+$0xFFFFFFA0]  }
0x1d7: {  	v11 =	vld [tilespmem:s7+$0xFFFFFFB0]  }
0x1d8: {  	v12 =	vld [tilespmem:s7+$0xFFFFFFC0]  }
0x1d9: {  	v13 =	vld [tilespmem:s7+$0xFFFFFFD0]  }
0x1da: {  	v14 =	vld [tilespmem:s7+$0xFFFFFFE0]  }
0x1db: {  	v15 =	vld [tilespmem:s7+$0xFFFFFFF0]  }
0x1dc: {  	v16 =	vld [tilespmem:s7+$0xFFFFFF10]  }
0x1dd: {  	[tilespmem:s22+$0x0] =	vst.add.f32.msk $0xffff, v2  }
0x1de: {  	v2 =	vld [tilespmem:s7+$0xFFFFFF60]  }
0x1df: {  	[tilespmem:s22+$0xFFFFFBA0] =	vst.add.f32.msk $0xffff, v3  }
0x1e0: {  	[tilespmem:s22+$0xFFFFFBB0] =	vst.add.f32.msk $0xffff, v4  }
0x1e1: {  	[tilespmem:s22+$0xFFFFFBC0] =	vst.add.f32.msk $0xffff, v5  }
0x1e2: {  	[tilespmem:s22+$0xFFFFFBD0] =	vst.add.f32.msk $0xffff, v6  }
0x1e3: {  	[tilespmem:s22+$0xFFFFFB90] =	vst.add.f32.msk $0xffff, v16  }
0x1e4: {  	[tilespmem:s22+$0xFFFFFBF0] =	vst.add.f32.msk $0xffff, v7  }
0x1e5: {  	[tilespmem:s22+$0xFFFFFC00] =	vst.add.f32.msk $0xffff, v8  }
0x1e6: {  	[tilespmem:s22+$0xFFFFFF90] =	vst.add.f32.msk $0xffff, v9  }
0x1e7: {  	[tilespmem:s22+$0xFFFFFFA0] =	vst.add.f32.msk $0xffff, v10  }
0x1e8: {  	[tilespmem:s22+$0xFFFFFFB0] =	vst.add.f32.msk $0xffff, v11  }
0x1e9: {  	[tilespmem:s22+$0xFFFFFFC0] =	vst.add.f32.msk $0xffff, v12  }
0x1ea: {  	[tilespmem:s22+$0xFFFFFFD0] =	vst.add.f32.msk $0xffff, v13  }
0x1eb: {  	[tilespmem:s22+$0xFFFFFFE0] =	vst.add.f32.msk $0xffff, v14  }
0x1ec: {  	[tilespmem:s22+$0xFFFFFFF0] =	vst.add.f32.msk $0xffff, v15  }
0x1ed: {  	s6 =	simm.s32 $0x0;
	s8 =	simm.s32 $0x2BF0;
	s7 =	simm.s32 $0x32F0;
	[tilespmem:s22+$0xFFFFFBE0] =	vst.add.f32.msk $0xffff, v2  }
.LBB2_13:
0x1ee: {  	v2 =	vld [tilespmem:s8+$0x0];
	s6 =	sadd.s32 $0x10, s6  }
0x1ef: {  	v3 =	vld [tilespmem:s8+$0xFFFFFF20];
	p0 =	slt.u32 s6, $0x70  }
0x1f0: {  	v4 =	vld [tilespmem:s8+$0xFFFFFF30]  }
0x1f1: {  	v5 =	vld [tilespmem:s8+$0xFFFFFF40]  }
0x1f2: {  	s22 =	sadd.s32 $0x800, s22;
	v6 =	vld [tilespmem:s8+$0xFFFFFF50]  }
0x1f3: {  	[tilespmem:s22+$0x0] =	vst.add.f32.msk $0xffff, v2  }
0x1f4: {  	v2 =	vld [tilespmem:s8+$0xFFFFFF60]  }
0x1f5: {  	v7 =	vld [tilespmem:s8+$0xFFFFFF70]  }
0x1f6: {  	v8 =	vld [tilespmem:s8+$0xFFFFFF80]  }
0x1f7: {  	v9 =	vld [tilespmem:s8+$0xFFFFFF90]  }
0x1f8: {  	v10 =	vld [tilespmem:s8+$0xFFFFFFA0]  }
0x1f9: {  	v11 =	vld [tilespmem:s8+$0xFFFFFFB0]  }
0x1fa: {  	v12 =	vld [tilespmem:s8+$0xFFFFFFC0]  }
0x1fb: {  	v13 =	vld [tilespmem:s8+$0xFFFFFFD0]  }
0x1fc: {  	v14 =	vld [tilespmem:s8+$0xFFFFFFE0]  }
0x1fd: {  	v15 =	vld [tilespmem:s8+$0xFFFFFFF0]  }
0x1fe: {  	v16 =	vld [tilespmem:s8+$0xFFFFFF10]  }
0x1ff: {  	[tilespmem:s22+$0xFFFFFBA0] =	vst.add.f32.msk $0xffff, v3  }
0x200: {  	[tilespmem:s22+$0xFFFFFBB0] =	vst.add.f32.msk $0xffff, v4  }
0x201: {  	[tilespmem:s22+$0xFFFFFBC0] =	vst.add.f32.msk $0xffff, v5  }
0x202: {  	[tilespmem:s22+$0xFFFFFBD0] =	vst.add.f32.msk $0xffff, v6  }
0x203: {  	[tilespmem:s22+$0xFFFFFB90] =	vst.add.f32.msk $0xffff, v16  }
0x204: {  	[tilespmem:s22+$0xFFFFFBE0] =	vst.add.f32.msk $0xffff, v2  }
0x205: {  	[tilespmem:s22+$0xFFFFFBF0] =	vst.add.f32.msk $0xffff, v7  }
0x206: {  	[tilespmem:s22+$0xFFFFFC00] =	vst.add.f32.msk $0xffff, v8  }
0x207: {  	[tilespmem:s22+$0xFFFFFF90] =	vst.add.f32.msk $0xffff, v9  }
0x208: {  	[tilespmem:s22+$0xFFFFFFA0] =	vst.add.f32.msk $0xffff, v10  }
.Ltmp5:
0x209: {  	[tilespmem:s22+$0xFFFFFFB0] =	vst.add.f32.msk $0xffff, v11;
	(pc) =	sbr.rel @p0 .LBB2_13-.Ltmp5, $4  }
0x20a: {  	[tilespmem:s22+$0xFFFFFFC0] =	vst.add.f32.msk $0xffff, v12  }
0x20b: {  	[tilespmem:s22+$0xFFFFFFD0] =	vst.add.f32.msk $0xffff, v13  }
0x20c: {  	[tilespmem:s22+$0xFFFFFFE0] =	vst.add.f32.msk $0xffff, v14  }
0x20d: {  	s8 =	sadd.s32 $0x100, s8;
	[tilespmem:s22+$0xFFFFFFF0] =	vst.add.f32.msk $0xffff, v15  }
0x20e: {  	v2 =	vld [tilespmem:s7+$0x0]  }
0x20f: {  	v3 =	vld [tilespmem:s7+$0xFFFFFF20]  }
0x210: {  	v4 =	vld [tilespmem:s7+$0xFFFFFF30]  }
0x211: {  	v5 =	vld [tilespmem:s7+$0xFFFFFF40]  }
0x212: {  	v6 =	vld [tilespmem:s7+$0xFFFFFF50]  }
0x213: {  	v7 =	vld [tilespmem:s7+$0xFFFFFF70]  }
0x214: {  	v8 =	vld [tilespmem:s7+$0xFFFFFF80]  }
0x215: {  	v9 =	vld [tilespmem:s7+$0xFFFFFF90]  }
0x216: {  	v10 =	vld [tilespmem:s7+$0xFFFFFFA0]  }
0x217: {  	v11 =	vld [tilespmem:s7+$0xFFFFFFB0]  }
0x218: {  	v12 =	vld [tilespmem:s7+$0xFFFFFFC0]  }
0x219: {  	v13 =	vld [tilespmem:s7+$0xFFFFFFD0]  }
0x21a: {  	v14 =	vld [tilespmem:s7+$0xFFFFFFE0]  }
0x21b: {  	v15 =	vld [tilespmem:s7+$0xFFFFFFF0]  }
0x21c: {  	v16 =	vld [tilespmem:s7+$0xFFFFFF10]  }
0x21d: {  	[tilespmem:s21+$0x0] =	vst.add.f32.msk $0xffff, v2  }
0x21e: {  	v2 =	vld [tilespmem:s7+$0xFFFFFF60]  }
0x21f: {  	[tilespmem:s21+$0xFFFFFBA0] =	vst.add.f32.msk $0xffff, v3  }
0x220: {  	[tilespmem:s21+$0xFFFFFBB0] =	vst.add.f32.msk $0xffff, v4  }
0x221: {  	[tilespmem:s21+$0xFFFFFBC0] =	vst.add.f32.msk $0xffff, v5  }
0x222: {  	[tilespmem:s21+$0xFFFFFBD0] =	vst.add.f32.msk $0xffff, v6  }
0x223: {  	[tilespmem:s21+$0xFFFFFB90] =	vst.add.f32.msk $0xffff, v16  }
0x224: {  	[tilespmem:s21+$0xFFFFFBF0] =	vst.add.f32.msk $0xffff, v7  }
0x225: {  	[tilespmem:s21+$0xFFFFFC00] =	vst.add.f32.msk $0xffff, v8  }
0x226: {  	[tilespmem:s21+$0xFFFFFF90] =	vst.add.f32.msk $0xffff, v9  }
0x227: {  	[tilespmem:s21+$0xFFFFFFA0] =	vst.add.f32.msk $0xffff, v10  }
0x228: {  	[tilespmem:s21+$0xFFFFFFB0] =	vst.add.f32.msk $0xffff, v11  }
0x229: {  	[tilespmem:s21+$0xFFFFFFC0] =	vst.add.f32.msk $0xffff, v12  }
0x22a: {  	[tilespmem:s21+$0xFFFFFFD0] =	vst.add.f32.msk $0xffff, v13  }
0x22b: {  	[tilespmem:s21+$0xFFFFFFE0] =	vst.add.f32.msk $0xffff, v14  }
0x22c: {  	[tilespmem:s21+$0xFFFFFFF0] =	vst.add.f32.msk $0xffff, v15  }
0x22d: {  	s6 =	simm.s32 $0x0;
	s8 =	simm.s32 $0x33F0;
	s7 =	simm.s32 $0x3AF0;
	[tilespmem:s21+$0xFFFFFBE0] =	vst.add.f32.msk $0xffff, v2  }
.LBB2_15:
0x22e: {  	v2 =	vld [tilespmem:s8+$0x0];
	s6 =	sadd.s32 $0x10, s6  }
0x22f: {  	v3 =	vld [tilespmem:s8+$0xFFFFFF20];
	p0 =	slt.u32 s6, $0x70  }
0x230: {  	v4 =	vld [tilespmem:s8+$0xFFFFFF30]  }
0x231: {  	v5 =	vld [tilespmem:s8+$0xFFFFFF40]  }
0x232: {  	s21 =	sadd.s32 $0x800, s21;
	v6 =	vld [tilespmem:s8+$0xFFFFFF50]  }
0x233: {  	[tilespmem:s21+$0x0] =	vst.add.f32.msk $0xffff, v2  }
0x234: {  	v2 =	vld [tilespmem:s8+$0xFFFFFF60]  }
0x235: {  	v7 =	vld [tilespmem:s8+$0xFFFFFF70]  }
0x236: {  	v8 =	vld [tilespmem:s8+$0xFFFFFF80]  }
0x237: {  	v9 =	vld [tilespmem:s8+$0xFFFFFF90]  }
0x238: {  	v10 =	vld [tilespmem:s8+$0xFFFFFFA0]  }
0x239: {  	v11 =	vld [tilespmem:s8+$0xFFFFFFB0]  }
0x23a: {  	v12 =	vld [tilespmem:s8+$0xFFFFFFC0]  }
0x23b: {  	v13 =	vld [tilespmem:s8+$0xFFFFFFD0]  }
0x23c: {  	v14 =	vld [tilespmem:s8+$0xFFFFFFE0]  }
0x23d: {  	v15 =	vld [tilespmem:s8+$0xFFFFFFF0]  }
0x23e: {  	v16 =	vld [tilespmem:s8+$0xFFFFFF10]  }
0x23f: {  	[tilespmem:s21+$0xFFFFFBA0] =	vst.add.f32.msk $0xffff, v3  }
0x240: {  	[tilespmem:s21+$0xFFFFFBB0] =	vst.add.f32.msk $0xffff, v4  }
0x241: {  	[tilespmem:s21+$0xFFFFFBC0] =	vst.add.f32.msk $0xffff, v5  }
0x242: {  	[tilespmem:s21+$0xFFFFFBD0] =	vst.add.f32.msk $0xffff, v6  }
0x243: {  	[tilespmem:s21+$0xFFFFFB90] =	vst.add.f32.msk $0xffff, v16  }
0x244: {  	[tilespmem:s21+$0xFFFFFBE0] =	vst.add.f32.msk $0xffff, v2  }
0x245: {  	[tilespmem:s21+$0xFFFFFBF0] =	vst.add.f32.msk $0xffff, v7  }
0x246: {  	[tilespmem:s21+$0xFFFFFC00] =	vst.add.f32.msk $0xffff, v8  }
0x247: {  	[tilespmem:s21+$0xFFFFFF90] =	vst.add.f32.msk $0xffff, v9  }
0x248: {  	[tilespmem:s21+$0xFFFFFFA0] =	vst.add.f32.msk $0xffff, v10  }
.Ltmp6:
0x249: {  	[tilespmem:s21+$0xFFFFFFB0] =	vst.add.f32.msk $0xffff, v11;
	(pc) =	sbr.rel @p0 .LBB2_15-.Ltmp6, $4  }
0x24a: {  	[tilespmem:s21+$0xFFFFFFC0] =	vst.add.f32.msk $0xffff, v12  }
0x24b: {  	[tilespmem:s21+$0xFFFFFFD0] =	vst.add.f32.msk $0xffff, v13  }
0x24c: {  	[tilespmem:s21+$0xFFFFFFE0] =	vst.add.f32.msk $0xffff, v14  }
0x24d: {  	s8 =	sadd.s32 $0x100, s8;
	[tilespmem:s21+$0xFFFFFFF0] =	vst.add.f32.msk $0xffff, v15  }
0x24e: {  	v2 =	vld [tilespmem:s7+$0x0]  }
0x24f: {  	v3 =	vld [tilespmem:s7+$0xFFFFFF20]  }
0x250: {  	v4 =	vld [tilespmem:s7+$0xFFFFFF30]  }
0x251: {  	v5 =	vld [tilespmem:s7+$0xFFFFFF40]  }
0x252: {  	v6 =	vld [tilespmem:s7+$0xFFFFFF50]  }
0x253: {  	v7 =	vld [tilespmem:s7+$0xFFFFFF70]  }
0x254: {  	v8 =	vld [tilespmem:s7+$0xFFFFFF80]  }
0x255: {  	v9 =	vld [tilespmem:s7+$0xFFFFFF90]  }
0x256: {  	v10 =	vld [tilespmem:s7+$0xFFFFFFA0]  }
0x257: {  	v11 =	vld [tilespmem:s7+$0xFFFFFFB0]  }
0x258: {  	v12 =	vld [tilespmem:s7+$0xFFFFFFC0]  }
0x259: {  	v13 =	vld [tilespmem:s7+$0xFFFFFFD0]  }
0x25a: {  	v14 =	vld [tilespmem:s7+$0xFFFFFFE0]  }
0x25b: {  	v15 =	vld [tilespmem:s7+$0xFFFFFFF0]  }
0x25c: {  	v16 =	vld [tilespmem:s7+$0xFFFFFF10]  }
0x25d: {  	[tilespmem:s0+$0x0] =	vst.add.f32.msk $0xffff, v2  }
0x25e: {  	v2 =	vld [tilespmem:s7+$0xFFFFFF60]  }
0x25f: {  	[tilespmem:s0+$0xFFFFFBA0] =	vst.add.f32.msk $0xffff, v3  }
0x260: {  	[tilespmem:s0+$0xFFFFFBB0] =	vst.add.f32.msk $0xffff, v4  }
0x261: {  	[tilespmem:s0+$0xFFFFFBC0] =	vst.add.f32.msk $0xffff, v5  }
0x262: {  	[tilespmem:s0+$0xFFFFFBD0] =	vst.add.f32.msk $0xffff, v6  }
0x263: {  	[tilespmem:s0+$0xFFFFFB90] =	vst.add.f32.msk $0xffff, v16  }
0x264: {  	[tilespmem:s0+$0xFFFFFBF0] =	vst.add.f32.msk $0xffff, v7  }
0x265: {  	[tilespmem:s0+$0xFFFFFC00] =	vst.add.f32.msk $0xffff, v8  }
0x266: {  	[tilespmem:s0+$0xFFFFFF90] =	vst.add.f32.msk $0xffff, v9  }
0x267: {  	[tilespmem:s0+$0xFFFFFFA0] =	vst.add.f32.msk $0xffff, v10  }
0x268: {  	[tilespmem:s0+$0xFFFFFFB0] =	vst.add.f32.msk $0xffff, v11  }
0x269: {  	[tilespmem:s0+$0xFFFFFFC0] =	vst.add.f32.msk $0xffff, v12  }
0x26a: {  	[tilespmem:s0+$0xFFFFFFD0] =	vst.add.f32.msk $0xffff, v13  }
0x26b: {  	[tilespmem:s0+$0xFFFFFFE0] =	vst.add.f32.msk $0xffff, v14  }
0x26c: {  	[tilespmem:s0+$0xFFFFFFF0] =	vst.add.f32.msk $0xffff, v15  }
0x26d: {  	s6 =	simm.s32 $0x0;
	s7 =	simm.s32 $0x3BF0;
	[tilespmem:s0+$0xFFFFFBE0] =	vst.add.f32.msk $0xffff, v2  }
.LBB2_17:
0x26e: {  	v2 =	vld [tilespmem:s7+$0x0];
	s6 =	sadd.s32 $0x10, s6  }
0x26f: {  	v3 =	vld [tilespmem:s7+$0xFFFFFF20];
	p0 =	slt.u32 s6, $0x70  }
0x270: {  	v4 =	vld [tilespmem:s7+$0xFFFFFF30]  }
0x271: {  	v5 =	vld [tilespmem:s7+$0xFFFFFF40]  }
0x272: {  	s0 =	sadd.s32 $0x800, s0;
	v6 =	vld [tilespmem:s7+$0xFFFFFF50]  }
0x273: {  	[tilespmem:s0+$0x0] =	vst.add.f32.msk $0xffff, v2  }
0x274: {  	v2 =	vld [tilespmem:s7+$0xFFFFFF60]  }
0x275: {  	v7 =	vld [tilespmem:s7+$0xFFFFFF70]  }
0x276: {  	v8 =	vld [tilespmem:s7+$0xFFFFFF80]  }
0x277: {  	v9 =	vld [tilespmem:s7+$0xFFFFFF90]  }
0x278: {  	v10 =	vld [tilespmem:s7+$0xFFFFFFA0]  }
0x279: {  	v11 =	vld [tilespmem:s7+$0xFFFFFFB0]  }
0x27a: {  	v12 =	vld [tilespmem:s7+$0xFFFFFFC0]  }
0x27b: {  	v13 =	vld [tilespmem:s7+$0xFFFFFFD0]  }
0x27c: {  	v14 =	vld [tilespmem:s7+$0xFFFFFFE0]  }
0x27d: {  	v15 =	vld [tilespmem:s7+$0xFFFFFFF0]  }
0x27e: {  	v16 =	vld [tilespmem:s7+$0xFFFFFF10]  }
0x27f: {  	[tilespmem:s0+$0xFFFFFBA0] =	vst.add.f32.msk $0xffff, v3  }
0x280: {  	[tilespmem:s0+$0xFFFFFBB0] =	vst.add.f32.msk $0xffff, v4  }
0x281: {  	[tilespmem:s0+$0xFFFFFBC0] =	vst.add.f32.msk $0xffff, v5  }
0x282: {  	[tilespmem:s0+$0xFFFFFBD0] =	vst.add.f32.msk $0xffff, v6  }
0x283: {  	[tilespmem:s0+$0xFFFFFB90] =	vst.add.f32.msk $0xffff, v16  }
0x284: {  	[tilespmem:s0+$0xFFFFFBE0] =	vst.add.f32.msk $0xffff, v2  }
0x285: {  	[tilespmem:s0+$0xFFFFFBF0] =	vst.add.f32.msk $0xffff, v7  }
0x286: {  	[tilespmem:s0+$0xFFFFFC00] =	vst.add.f32.msk $0xffff, v8  }
0x287: {  	[tilespmem:s0+$0xFFFFFF90] =	vst.add.f32.msk $0xffff, v9  }
0x288: {  	[tilespmem:s0+$0xFFFFFFA0] =	vst.add.f32.msk $0xffff, v10  }
.Ltmp7:
0x289: {  	[tilespmem:s0+$0xFFFFFFB0] =	vst.add.f32.msk $0xffff, v11;
	(pc) =	sbr.rel @p0 .LBB2_17-.Ltmp7, $4  }
0x28a: {  	[tilespmem:s0+$0xFFFFFFC0] =	vst.add.f32.msk $0xffff, v12  }
0x28b: {  	[tilespmem:s0+$0xFFFFFFD0] =	vst.add.f32.msk $0xffff, v13  }
0x28c: {  	[tilespmem:s0+$0xFFFFFFE0] =	vst.add.f32.msk $0xffff, v14  }
0x28d: {  	s7 =	sadd.s32 $0x100, s7;
	[tilespmem:s0+$0xFFFFFFF0] =	vst.add.f32.msk $0xffff, v15  }
0x28e: {  	s0 =	sshll.u32 s31, $0x14;
	p0 =	seq.s32 s30, $0x3F  }
0x28f: {  	s6 =	sadd.s32 $0x3, s31;
	s0 =	sadd.s32 s3, s0;
	p1 =	sne.s32 @!p0 s31, $0x3  }
0x290: {  	s30 =	sadd.s32 $0x1, s30;
	s0 =	sadd.s32 s2, s0;
	p0 =	por p1, p0  }
0x291: {  	[hbm4b:s0+s4] =	stream.linear.scatter [tilespmem:s20], [sflag:s6], $0x4000, $0x38;
	[tilespmem:$0x14200] =	vst v63  }
0x292: {  	s0 =	sadd.s32 @!p0 s2, s18;
	s2 =	simm.s32 @!p0 $0x0;
	s6 =	simm.s32 @!p0 $0x200  }
0x293: {  	[tilespmem:s6], [sflag:$0x7] =	stream.linear.gather @!p0 [hbm4b:s0+s2], $0x4000, $0x38;
	[tilespmem:$0x14200] =	vst v63  }
0x294: {  	p0 =	sne.s32 s30, $0x40  }
.Ltmp8:
0x295: {  	_ = 	snop;
	(pc) =	sbr.rel @p0 .LBB2_2-.Ltmp8, $2  }
0x296: {  	_ =	sdelay $0x2  }
0x297: {  	s29 =	sadd.s32 $0x1, s29  }
0x298: {  	s2 =	simm.s32 $0x6  }
0x299: {  	_ =	swait.ge [sflag:s2], $0x4000  }
0x29a: {  	s28 =	sadd.s32 $0x1, s28;
	s0 =	rddreg [dreg:$0xa]  }
0x29b: {  	p0 =	sne.s32 s28, s0  }
.Ltmp9:
0x29c: {  	_ = 	snop;
	(pc) =	sbr.rel @p0 .LBB2_1-.Ltmp9, $3  }
0x29d: {  	_ =	sdelay $0x1  }
0x29e: {  	[sflag:s2] =	ssyncset.done $0x0  }
0x29f: {  	[sflag:s2] =	ssyncadd.s32 $0xFFFFC000  }
0x2a0: {  	_ =	sfence.sel $0x180000  }
0x2a1: {  	[bflag:$0x0] =	sbarrier.arrive $0xFFFF  }
0x2a2: {  	_ =	strace $0x90000047  }
0x2a3: {  	s0 =	stileid.u32;
	[bflag:$0x2] =	sbarrier.arrive $0xFFFF  }
0x2a4: {  	p0 =	sne.s32 s0, $0x0;
	s0 =	rddreg [dreg:$0x4]  }
0x2a5: {  	s0 =	sadd.s32 @!p0 $0x100000, s0  }
0x2a6: {  	[sflag:s0] =	ssyncadd.tile.s32 @!p0 $0x1;
	_ =	shalt  }
.Lfunc_end2:
_tile_overlayer_lowered:
.L_overlay_start_2:
0x2a7: {  	(tag) =	ssettag $0x2  }
0x2a8: {  	s0 =	rddreg [dreg:$0x0];
	s2 =	stileid.u32  }
0x2a9: {  	s1 =	rddreg [dreg:$0x1];
	p0 =	sne.s32 s2, $0x0  }
0x2aa: {  	s3 =	rddreg [dreg:$0x2];
	[bflag:$0x3] =	sbarrier.arrive $0xFFFF;
	s2 =	simm.s32 @!p0 $0x1C08  }
0x2ab: {  	[timem:s3], [sflag:s2] =	dma.local @!p0 [hbm:s0], s1  }
0x2ac: {  	s0 =	simm.s32 @!p0 $0x8  }
0x2ad: {  	_ =	swait.ge @!p0 [sflag:s0], s1  }
0x2ae: {  	s1 =	ssub.s32 @!p0 $0x0, s1;
	[sflag:s0] =	ssyncset.done @!p0 $0x0  }
0x2af: {  	[sflag:s0] =	ssyncadd.s32 @!p0 s1  }
0x2b0: {  	[bflag:$0x3] =	sbarrier.arrive $0xFFFF  }
0x2b1: {  	_ =	shalt  }

</sc_bundles>
